<compile_context>
chip_gen: v7x
topology: tpu7x:2x2x1
jax: 0.10.2.dev20260603
libtpu: 0.0.44.dev20260713+nightly
codegen_flags: <defaults>
</compile_context>

<pallas_src>
import dataclasses
import functools

import jax
import jax.numpy as jnp
from jax import lax
from jax.experimental import pallas as pl
from jax.experimental.pallas import tpu as pltpu
from jax.experimental.pallas import tpu_sc as plsc

_PAD = 1
_NUM_CORES = 2
_NUM_SUBCORES = 16
_NUM_WORKERS = _NUM_CORES * _NUM_SUBCORES
_LANES = 16


@functools.lru_cache(maxsize=None)
def _make_embed(n_rows, dim, chunk):
    rows_per_w = n_rows // _NUM_WORKERS
    nchunk = rows_per_w // chunk
    nvec = rows_per_w // _LANES
    tiles_per_row = 8
    mesh = plsc.VectorSubcoreMesh(core_axis_name="c", subcore_axis_name="s")
    cp = pltpu.CompilerParams()
    if "needs_layout_passes" in pltpu.CompilerParams.__dataclass_fields__:
        cp = dataclasses.replace(cp, needs_layout_passes=False)

    @functools.partial(
        pl.kernel,
        mesh=mesh,
        compiler_params=cp,
        out_type=jax.ShapeDtypeStruct((n_rows, dim), jnp.float32),
        scratch_types=[
            pltpu.VMEM((nvec, _LANES), jnp.int32),
            pltpu.VMEM((nchunk, chunk), jnp.int32),
            pltpu.VMEM((_LANES,), jnp.int32),
            pltpu.VMEM((_NUM_SUBCORES, _LANES), jnp.int32),
            pltpu.VMEM_SHARED((_NUM_SUBCORES, _LANES), jnp.int32),
            pltpu.VMEM((chunk, dim), jnp.float32),
            pltpu.VMEM((chunk, dim), jnp.float32),
            pltpu.VMEM((chunk, dim), jnp.float32),
            pltpu.VMEM((chunk, dim), jnp.float32),
            pltpu.VMEM((chunk, dim), jnp.float32),
            pltpu.VMEM((chunk, dim), jnp.float32),
            pltpu.SemaphoreType.DMA,
            pltpu.SemaphoreType.DMA,
            pltpu.SemaphoreType.DMA,
            pltpu.SemaphoreType.DMA,
            pltpu.SemaphoreType.DMA,
            pltpu.SemaphoreType.DMA,
            pltpu.SemaphoreType.DMA,
            pltpu.SemaphoreType.DMA,
            pltpu.SemaphoreType.DMA,
            pltpu.SemaphoreType.DMA,
            pltpu.SemaphoreType.DMA,
            pltpu.SemaphoreType.DMA,
        ],
    )
    def embed_kernel(tok_hbm, table_hbm, out_hbm, tok_v, idx_v, carry_v,
                     tot_v, shared_v, b0, b1, b2, b3, b4, b5,
                     g0, g1, g2, g3, g4, g5, w0, w1, w2, w3, w4, w5):
        cid = lax.axis_index("c")
        sid = lax.axis_index("s")
        wid = cid * _NUM_SUBCORES + sid
        base = wid * rows_per_w

        pltpu.sync_copy(tok_hbm.at[wid], tok_v)
        carry_v[...] = jnp.zeros((_LANES,), jnp.int32)

        @pl.loop(0, nvec)
        def _(i):
            t = tok_v[i]
            m = jnp.where(t != _PAD, 1, 0).astype(jnp.int32)
            raw = plsc.cumsum(m) + carry_v[...]
            idx_v[i] = raw
            carry_v[...] = carry_v[...] + jnp.sum(m)

        pltpu.sync_copy(carry_v, shared_v.at[sid])
        plsc.subcore_barrier()
        pltpu.sync_copy(shared_v, tot_v)
        group_start = (sid // tiles_per_row) * tiles_per_row
        prefix = jnp.int32(0)
        for j in range(_NUM_SUBCORES):
            tj = jnp.max(tot_v[j])
            take = jnp.logical_and(j >= group_start, j < sid)
            prefix = prefix + jnp.where(take, tj, 0)

        @pl.loop(0, nvec)
        def _(i):
            t = tok_v[i]
            m = jnp.where(t != _PAD, 1, 0).astype(jnp.int32)
            idx_v[i] = (idx_v[i] + prefix) * m + _PAD

        bufs = (b0, b1, b2, b3, b4, b5)
        gsems = (g0, g1, g2, g3, g4, g5)
        wsems = (w0, w1, w2, w3, w4, w5)

        def start_g(g, b):
            pltpu.make_async_copy(table_hbm.at[idx_v.at[g]], bufs[b], gsems[b]).start()

        def wait_g(b):
            pltpu.make_async_copy(table_hbm.at[idx_v.at[0]], bufs[b], gsems[b]).wait()

        def start_w(g, b):
            pltpu.make_async_copy(
                bufs[b], out_hbm.at[pl.ds(base + g * chunk, chunk)], wsems[b]
            ).start()

        def wait_w(b):
            pltpu.make_async_copy(
                bufs[b], out_hbm.at[pl.ds(base, chunk)], wsems[b]
            ).wait()

        start_g(0, 0)
        start_g(1, 1)
        start_g(2, 2)
        wait_g(0)
        start_w(0, 0)
        start_g(3, 3)
        wait_g(1)
        start_w(1, 1)
        start_g(4, 4)
        wait_g(2)
        start_w(2, 2)
        start_g(5, 5)
        wait_g(3)
        start_w(3, 3)
        wait_w(0)
        start_g(6, 0)
        wait_g(4)
        start_w(4, 4)
        wait_w(1)
        start_g(7, 1)
        wait_g(5)
        start_w(5, 5)
        wait_w(2)
        start_g(8, 2)

        @pl.loop(6, ((nchunk - 4) // 6) * 6, step=6)
        def _(c0):
            for j in range(6):
                wait_g(j)
                start_w(c0 + j, j)
                wait_w((j + 3) % 6)
                start_g(c0 + j + 3, (j + 3) % 6)

        tail0 = ((nchunk - 4) // 6) * 6
        for c in range(tail0, nchunk):
            b = c % 6
            wait_g(b)
            start_w(c, b)
            if c + 3 < nchunk:
                wait_w((b + 3) % 6)
                start_g(c + 3, (b + 3) % 6)
        for c in range(nchunk - 6, nchunk):
            wait_w(c % 6)

    return embed_kernel


def kernel(tokens, table):
    batch, seq = tokens.shape
    n_rows = batch * seq
    dim = table.shape[1]
    chunk = _LANES

    tok3 = tokens.reshape(_NUM_WORKERS, (n_rows // _NUM_WORKERS) // _LANES, _LANES)
    out = _make_embed(n_rows, dim, chunk)(tok3, table)
    return out.reshape(batch, seq, dim)

# --- scband reference (transcript-rebuilt; emitter-appended) ---
"""Pipeline reference for scband-embed-position-67748814127172 (READ-ONLY COPY).

The authoritative reference and input builder live on the scoring server;
editing this copy changes nothing except your own understanding.
"""

import jax, jax.numpy as jnp
import numpy as np

PADDING_IDX = 1
MAX_POSITION = 8192
EMBED_DIM = 1024
MAX_POSITION_ = MAX_POSITION + PADDING_IDX + 1  # 8194 rows in table
BATCH = 4
SEQ_LEN = 8192
TOKEN_VOCAB = 50000


def setup_inputs(seed: int = 0) -> dict:
    key = jax.random.key(seed)
    k_tok, k_tab = jax.random.split(key)
    tokens = jax.random.randint(k_tok, (BATCH, SEQ_LEN), 0, TOKEN_VOCAB, dtype=jnp.int32)
    # hk.Embed default init: truncated normal with stddev 1/sqrt(vocab_size); use small normal
    table = jax.random.normal(k_tab, (MAX_POSITION_, EMBED_DIM), dtype=jnp.float32) * 0.02
    return {"tokens": tokens, "table": table}


def reference(tokens, table):
    # Faithful translation of EmbedPosition.__call__
    mask = jnp.not_equal(tokens, PADDING_IDX)
    positions = jnp.cumsum(mask, axis=-1, dtype=jnp.int32) * mask + PADDING_IDX
    # hk.Embed lookup == row gather from table
    return jnp.take(table, positions, axis=0)

if __name__ == "__main__":
    import jax
    _d = setup_inputs()
    print(jax.jit(kernel)(*tuple(_d.values())))

</pallas_src>

<mosaic_0001>
#map = affine_map<(d0, d1) -> (0, 0, 0)>
#map1 = affine_map<(d0, d1) -> (0, 0)>
module attributes {stable_mosaic.version = 14 : i64} {
  func.func @embed_kernel(%arg0: i32, %arg1: i32, %arg2: memref<32x64x16xi32, #tpu.memory_space<hbm>>, %arg3: memref<8194x1024xf32, #tpu.memory_space<hbm>>, %arg4: memref<32768x1024xf32, #tpu.memory_space<hbm>>, %arg5: memref<64x16xi32, #tpu.memory_space<vmem>>, %arg6: memref<64x16xi32, #tpu.memory_space<vmem>>, %arg7: memref<16xi32, #tpu.memory_space<vmem>>, %arg8: memref<16x16xi32, #tpu.memory_space<vmem>>, %arg9: memref<16x16xi32, #tpu.memory_space<vmem_shared>>, %arg10: memref<16x1024xf32, #tpu.memory_space<vmem>>, %arg11: memref<16x1024xf32, #tpu.memory_space<vmem>>, %arg12: memref<16x1024xf32, #tpu.memory_space<vmem>>, %arg13: memref<16x1024xf32, #tpu.memory_space<vmem>>, %arg14: memref<16x1024xf32, #tpu.memory_space<vmem>>, %arg15: memref<16x1024xf32, #tpu.memory_space<vmem>>, %arg16: memref<!tpu.dma_semaphore, #tpu.memory_space<semaphore_mem>>, %arg17: memref<!tpu.dma_semaphore, #tpu.memory_space<semaphore_mem>>, %arg18: memref<!tpu.dma_semaphore, #tpu.memory_space<semaphore_mem>>, %arg19: memref<!tpu.dma_semaphore, #tpu.memory_space<semaphore_mem>>, %arg20: memref<!tpu.dma_semaphore, #tpu.memory_space<semaphore_mem>>, %arg21: memref<!tpu.dma_semaphore, #tpu.memory_space<semaphore_mem>>, %arg22: memref<!tpu.dma_semaphore, #tpu.memory_space<semaphore_mem>>, %arg23: memref<!tpu.dma_semaphore, #tpu.memory_space<semaphore_mem>>, %arg24: memref<!tpu.dma_semaphore, #tpu.memory_space<semaphore_mem>>, %arg25: memref<!tpu.dma_semaphore, #tpu.memory_space<semaphore_mem>>, %arg26: memref<!tpu.dma_semaphore, #tpu.memory_space<semaphore_mem>>, %arg27: memref<!tpu.dma_semaphore, #tpu.memory_space<semaphore_mem>>) attributes {dimension_semantics = [#tpu.dimension_semantics<core_parallel>, #tpu.dimension_semantics<subcore_parallel>], iteration_bounds = array<i64: 2, 16>, scalar_prefetch = 0 : i64, scratch_operands = 23 : i64, tpu.core_type = #tpu.core_type<sc_vector_subcore>, window_params = [{transform_indices = #map}, {transform_indices = #map1}, {transform_indices = #map1}]} {
    %mul3A = arith.constant 16 : i32
    %mul3A_0 = arith.muli %arg0, %mul3A : i32
    %add3A = arith.addi %mul3A_0, %arg1 : i32
    %mul3A_1 = arith.constant 1024 : i32
    %mul3A_2 = arith.muli %add3A, %mul3A_1 : i32
    "tpu.region"() ({
      %run_scoped3A = tpu.sem_alloc : memref<!tpu.dma_semaphore, #tpu.memory_space<semaphore_mem>>
      %dma_start3A_592 = arith.constant 0 : i32
      %dma_start3A_593 = arith.constant 0 : i32
      %dma_start3A_594 = tpu.memref_slice %arg2[%add3A, %dma_start3A_592, %dma_start3A_593] : memref<32x64x16xi32, #tpu.memory_space<hbm>> -> memref<1x64x16xi32, #tpu.memory_space<hbm>>
      %dma_start3A_595 = tpu.memref_squeeze %dma_start3A_594 : memref<1x64x16xi32, #tpu.memory_space<hbm>> -> memref<64x16xi32, #tpu.memory_space<hbm>>
      %dma_start3A_596 = arith.constant 0 : i32
      %dma_start3A_597 = arith.constant 0 : i32
      %dma_start3A_598 = tpu.memref_slice %arg2[%add3A, %dma_start3A_596, %dma_start3A_597] : memref<32x64x16xi32, #tpu.memory_space<hbm>> -> memref<1x64x16xi32, #tpu.memory_space<hbm>>
      %dma_start3A_599 = tpu.memref_squeeze %dma_start3A_598 : memref<1x64x16xi32, #tpu.memory_space<hbm>> -> memref<64x16xi32, #tpu.memory_space<hbm>>
      tpu.enqueue_dma source(%dma_start3A_599 : memref<64x16xi32, #tpu.memory_space<hbm>>) target(%arg5 : memref<64x16xi32, #tpu.memory_space<vmem>>) target_semaphore(%run_scoped3A : memref<!tpu.dma_semaphore, #tpu.memory_space<semaphore_mem>>)
      %dma_wait3A_600 = arith.constant 0 : i32
      %dma_wait3A_601 = arith.constant 0 : i32
      %dma_wait3A_602 = tpu.memref_slice %arg2[%add3A, %dma_wait3A_600, %dma_wait3A_601] : memref<32x64x16xi32, #tpu.memory_space<hbm>> -> memref<1x64x16xi32, #tpu.memory_space<hbm>>
      %dma_wait3A_603 = tpu.memref_squeeze %dma_wait3A_602 : memref<1x64x16xi32, #tpu.memory_space<hbm>> -> memref<64x16xi32, #tpu.memory_space<hbm>>
      %dma_wait3A_604 = arith.constant 0 : i32
      %dma_wait3A_605 = arith.constant 0 : i32
      %dma_wait3A_606 = tpu.memref_slice %arg2[%add3A, %dma_wait3A_604, %dma_wait3A_605] : memref<32x64x16xi32, #tpu.memory_space<hbm>> -> memref<1x64x16xi32, #tpu.memory_space<hbm>>
      %dma_wait3A_607 = tpu.memref_squeeze %dma_wait3A_606 : memref<1x64x16xi32, #tpu.memory_space<hbm>> -> memref<64x16xi32, #tpu.memory_space<hbm>>
      tpu.wait_dma2 semaphore(%run_scoped3A : memref<!tpu.dma_semaphore, #tpu.memory_space<semaphore_mem>>) src(%dma_wait3A_607 : memref<64x16xi32, #tpu.memory_space<hbm>>) dst(%arg5 : memref<64x16xi32, #tpu.memory_space<vmem>>)
      tpu.yield
    }) : () -> ()
    %broadcast_in_dim3A = arith.constant 0 : i32
    %broadcast_in_dim3A_3 = vector.broadcast %broadcast_in_dim3A : i32 to vector<16xi32>
    %swap3A = arith.constant 0 : index
    %swap3A_4 = tpu.vector_load %arg7[%swap3A] {strides = array<i32>} : memref<16xi32, #tpu.memory_space<vmem>>, vector<16xi32>,
    tpu.vector_store %arg7[%swap3A], %broadcast_in_dim3A_3 {strides = array<i32>} : memref<16xi32, #tpu.memory_space<vmem>>, vector<16xi32>,
    %scan3A = arith.constant 0 : i32
    %scan3A_5 = arith.constant 64 : i32
    %scan3A_6 = arith.addi %scan3A, %scan3A_5 : i32
    %scan3A_7 = arith.constant 1 : i32
    scf.for %scan3A_592 = %scan3A to %scan3A_6 step %scan3A_7  : i32 {
      %mul3A_593 = arith.constant 1 : i32
      %mul3A_594 = arith.muli %scan3A_592, %mul3A_593 : i32
      %add3A_595 = arith.constant 0 : i32
      %add3A_596 = arith.addi %add3A_595, %mul3A_594 : i32
      %get3A_597 = arith.index_cast %add3A_596 : i32 to index
      %get3A_598 = arith.constant 0 : index
      %get3A_599 = tpu.vector_load %arg5[%get3A_597, %get3A_598] {strides = array<i32>} : memref<64x16xi32, #tpu.memory_space<vmem>>, vector<16xi32>,
      %ne3A_600 = arith.constant 1 : i32
      %ne3A_601 = vector.broadcast %ne3A_600 : i32 to vector<16xi32>
      %ne3A_602 = arith.cmpi ne, %get3A_599, %ne3A_601 : vector<16xi32>
      %jit3A_603 = arith.constant 1 : i32
      %jit3A_604 = arith.constant 0 : i32
      %broadcast_in_dim3A_605 = vector.broadcast %jit3A_603 : i32 to vector<16xi32>
      %broadcast_in_dim3A_606 = vector.broadcast %jit3A_604 : i32 to vector<16xi32>
      %select_n3A_607 = arith.select %ne3A_602, %broadcast_in_dim3A_605, %broadcast_in_dim3A_606 : vector<16xi1>, vector<16xi32>
      %broadcast_in_dim3A_608 = arith.constant true
      %broadcast_in_dim3A_609 = vector.broadcast %broadcast_in_dim3A_608 : i1 to vector<16xi1>
      %masked_cumsum3A = tpu.scan <sum>, %select_n3A_607 masked %broadcast_in_dim3A_609 : vector<16xi32>, vector<16xi1> -> vector<16xi32>
      %get3A_610 = arith.constant 0 : index
      %get3A_611 = tpu.vector_load %arg7[%get3A_610] {strides = array<i32>} : memref<16xi32, #tpu.memory_space<vmem>>, vector<16xi32>,
      %add3A_612 = arith.addi %masked_cumsum3A, %get3A_611 : vector<16xi32>
      %swap3A_613 = arith.index_cast %add3A_596 : i32 to index
      %swap3A_614 = arith.constant 0 : index
      %swap3A_615 = tpu.vector_load %arg6[%swap3A_613, %swap3A_614] {strides = array<i32>} : memref<64x16xi32, #tpu.memory_space<vmem>>, vector<16xi32>,
      tpu.vector_store %arg6[%swap3A_613, %swap3A_614], %add3A_612 {strides = array<i32>} : memref<64x16xi32, #tpu.memory_space<vmem>>, vector<16xi32>,
      %get3A_616 = arith.constant 0 : index
      %get3A_617 = tpu.vector_load %arg7[%get3A_616] {strides = array<i32>} : memref<16xi32, #tpu.memory_space<vmem>>, vector<16xi32>,
      %reduce_sum3A = arith.constant true
      %reduce_sum3A_618 = vector.broadcast %reduce_sum3A : i1 to vector<16xi1>
      %reduce_sum3A_619 = tpu.scan <sum>, %select_n3A_607 masked %reduce_sum3A_618 : vector<16xi32>, vector<16xi1> -> vector<16xi32>
      %reduce_sum3A_620 = vector.extract %reduce_sum3A_619[15] : i32 from vector<16xi32>
      %add3A_621 = vector.broadcast %reduce_sum3A_620 : i32 to vector<16xi32>
      %add3A_622 = arith.addi %get3A_617, %add3A_621 : vector<16xi32>
      %swap3A_623 = arith.constant 0 : index
      %swap3A_624 = tpu.vector_load %arg7[%swap3A_623] {strides = array<i32>} : memref<16xi32, #tpu.memory_space<vmem>>, vector<16xi32>,
      tpu.vector_store %arg7[%swap3A_623], %add3A_622 {strides = array<i32>} : memref<16xi32, #tpu.memory_space<vmem>>, vector<16xi32>,
    }
    %scan3A_8 = arith.constant 64 : i32
    "tpu.region"() ({
      %run_scoped3A = tpu.sem_alloc : memref<!tpu.dma_semaphore, #tpu.memory_space<semaphore_mem>>
      %dma_start3A_592 = arith.constant 0 : i32
      %dma_start3A_593 = tpu.memref_slice %arg9[%arg1, %dma_start3A_592] : memref<16x16xi32, #tpu.memory_space<vmem_shared>> -> memref<1x16xi32, #tpu.memory_space<vmem_shared>>
      %dma_start3A_594 = tpu.memref_squeeze %dma_start3A_593 : memref<1x16xi32, #tpu.memory_space<vmem_shared>> -> memref<16xi32, #tpu.memory_space<vmem_shared>>
      %dma_start3A_595 = arith.constant 0 : i32
      %dma_start3A_596 = tpu.memref_slice %arg9[%arg1, %dma_start3A_595] : memref<16x16xi32, #tpu.memory_space<vmem_shared>> -> memref<1x16xi32, #tpu.memory_space<vmem_shared>>
      %dma_start3A_597 = tpu.memref_squeeze %dma_start3A_596 : memref<1x16xi32, #tpu.memory_space<vmem_shared>> -> memref<16xi32, #tpu.memory_space<vmem_shared>>
      tpu.enqueue_dma source(%arg7 : memref<16xi32, #tpu.memory_space<vmem>>) target(%dma_start3A_597 : memref<16xi32, #tpu.memory_space<vmem_shared>>) target_semaphore(%run_scoped3A : memref<!tpu.dma_semaphore, #tpu.memory_space<semaphore_mem>>)
      %dma_wait3A_598 = arith.constant 0 : i32
      %dma_wait3A_599 = tpu.memref_slice %arg9[%arg1, %dma_wait3A_598] : memref<16x16xi32, #tpu.memory_space<vmem_shared>> -> memref<1x16xi32, #tpu.memory_space<vmem_shared>>
      %dma_wait3A_600 = tpu.memref_squeeze %dma_wait3A_599 : memref<1x16xi32, #tpu.memory_space<vmem_shared>> -> memref<16xi32, #tpu.memory_space<vmem_shared>>
      %dma_wait3A_601 = arith.constant 0 : i32
      %dma_wait3A_602 = tpu.memref_slice %arg9[%arg1, %dma_wait3A_601] : memref<16x16xi32, #tpu.memory_space<vmem_shared>> -> memref<1x16xi32, #tpu.memory_space<vmem_shared>>
      %dma_wait3A_603 = tpu.memref_squeeze %dma_wait3A_602 : memref<1x16xi32, #tpu.memory_space<vmem_shared>> -> memref<16xi32, #tpu.memory_space<vmem_shared>>
      tpu.wait_dma2 semaphore(%run_scoped3A : memref<!tpu.dma_semaphore, #tpu.memory_space<semaphore_mem>>) src(%arg7 : memref<16xi32, #tpu.memory_space<vmem>>) dst(%dma_wait3A_603 : memref<16xi32, #tpu.memory_space<vmem_shared>>)
      tpu.yield
    }) : () -> ()
    %barrier3A = arith.constant 0 : index
    tpu.barrier barrier_id(%barrier3A)
    "tpu.region"() ({
      %run_scoped3A = tpu.sem_alloc : memref<!tpu.dma_semaphore, #tpu.memory_space<semaphore_mem>>
      tpu.enqueue_dma source(%arg9 : memref<16x16xi32, #tpu.memory_space<vmem_shared>>) target(%arg8 : memref<16x16xi32, #tpu.memory_space<vmem>>) target_semaphore(%run_scoped3A : memref<!tpu.dma_semaphore, #tpu.memory_space<semaphore_mem>>)
      tpu.wait_dma2 semaphore(%run_scoped3A : memref<!tpu.dma_semaphore, #tpu.memory_space<semaphore_mem>>) src(%arg9 : memref<16x16xi32, #tpu.memory_space<vmem_shared>>) dst(%arg8 : memref<16x16xi32, #tpu.memory_space<vmem>>)
      tpu.yield
    }) : () -> ()
    %jit3A = arith.constant 8 : i32
    %div3A = arith.divsi %arg1, %jit3A : i32
    %sign3A = arith.constant 0 : i32
    %sign3A_9 = arith.cmpi sgt, %arg1, %sign3A : i32
    %sign3A_10 = arith.extui %sign3A_9 : i1 to i32
    %sign3A_11 = arith.constant 0 : i32
    %sign3A_12 = arith.cmpi slt, %arg1, %sign3A_11 : i32
    %sign3A_13 = arith.extui %sign3A_12 : i1 to i32
    %sign3A_14 = arith.subi %sign3A_10, %sign3A_13 : i32
    %sign3A_15 = arith.constant 0 : i32
    %sign3A_16 = arith.cmpi sgt, %jit3A, %sign3A_15 : i32
    %sign3A_17 = arith.extui %sign3A_16 : i1 to i32
    %sign3A_18 = arith.constant 0 : i32
    %sign3A_19 = arith.cmpi slt, %jit3A, %sign3A_18 : i32
    %sign3A_20 = arith.extui %sign3A_19 : i1 to i32
    %sign3A_21 = arith.subi %sign3A_17, %sign3A_20 : i32
    %ne3A = arith.cmpi ne, %sign3A_14, %sign3A_21 : i32
    %rem3A = arith.remsi %arg1, %jit3A : i32
    %ne3A_22 = arith.constant 0 : i32
    %ne3A_23 = arith.cmpi ne, %rem3A, %ne3A_22 : i32
    %and3A = arith.andi %ne3A, %ne3A_23 : i1
    %sub3A = arith.constant 1 : i32
    %sub3A_24 = arith.subi %div3A, %sub3A : i32
    %select_n3A = arith.select %and3A, %sub3A_24, %div3A : i32
    %mul3A_25 = arith.constant 8 : i32
    %mul3A_26 = arith.muli %select_n3A, %mul3A_25 : i32
    %get3A = arith.constant 0 : i32
    %get3A_27 = arith.index_cast %get3A : i32 to index
    %get3A_28 = arith.constant 0 : index
    %get3A_29 = tpu.vector_load %arg8[%get3A_27, %get3A_28] {strides = array<i32>} : memref<16x16xi32, #tpu.memory_space<vmem>>, vector<16xi32>,
    %reduce_max3A = arith.constant true
    %reduce_max3A_30 = vector.broadcast %reduce_max3A : i1 to vector<16xi1>
    %reduce_max3A_31 = arith.constant -2147483648 : i32
    %reduce_max3A_32 = vector.broadcast %reduce_max3A_31 : i32 to vector<16xi32>
    %reduce_max3A_33 = arith.xori %get3A_29, %reduce_max3A_32 : vector<16xi32>
    %reduce_max3A_34 = tpu.scan <max>, %reduce_max3A_33 masked %reduce_max3A_30 : vector<16xi32>, vector<16xi1> -> vector<16xi32>
    %reduce_max3A_35 = arith.xori %reduce_max3A_34, %reduce_max3A_32 : vector<16xi32>
    %reduce_max3A_36 = vector.extract %reduce_max3A_35[15] : i32 from vector<16xi32>
    %le3A = arith.constant 0 : i32
    %le3A_37 = arith.cmpi sle, %mul3A_26, %le3A : i32
    %gt3A = arith.constant 0 : i32
    %gt3A_38 = arith.cmpi sgt, %arg1, %gt3A : i32
    %and3A_39 = arith.andi %le3A_37, %gt3A_38 : i1
    %jit3A_40 = arith.constant 0 : i32
    %select_n3A_41 = arith.select %and3A_39, %reduce_max3A_36, %jit3A_40 : i32
    %add3A_42 = arith.constant 0 : i32
    %add3A_43 = arith.addi %add3A_42, %select_n3A_41 : i32
    %get3A_44 = arith.constant 1 : i32
    %get3A_45 = arith.index_cast %get3A_44 : i32 to index
    %get3A_46 = arith.constant 0 : index
    %get3A_47 = tpu.vector_load %arg8[%get3A_45, %get3A_46] {strides = array<i32>} : memref<16x16xi32, #tpu.memory_space<vmem>>, vector<16xi32>,
    %reduce_max3A_48 = arith.constant true
    %reduce_max3A_49 = vector.broadcast %reduce_max3A_48 : i1 to vector<16xi1>
    %reduce_max3A_50 = arith.constant -2147483648 : i32
    %reduce_max3A_51 = vector.broadcast %reduce_max3A_50 : i32 to vector<16xi32>
    %reduce_max3A_52 = arith.xori %get3A_47, %reduce_max3A_51 : vector<16xi32>
    %reduce_max3A_53 = tpu.scan <max>, %reduce_max3A_52 masked %reduce_max3A_49 : vector<16xi32>, vector<16xi1> -> vector<16xi32>
    %reduce_max3A_54 = arith.xori %reduce_max3A_53, %reduce_max3A_51 : vector<16xi32>
    %reduce_max3A_55 = vector.extract %reduce_max3A_54[15] : i32 from vector<16xi32>
    %le3A_56 = arith.constant 1 : i32
    %le3A_57 = arith.cmpi sle, %mul3A_26, %le3A_56 : i32
    %gt3A_58 = arith.constant 1 : i32
    %gt3A_59 = arith.cmpi sgt, %arg1, %gt3A_58 : i32
    %and3A_60 = arith.andi %le3A_57, %gt3A_59 : i1
    %jit3A_61 = arith.constant 0 : i32
    %select_n3A_62 = arith.select %and3A_60, %reduce_max3A_55, %jit3A_61 : i32
    %add3A_63 = arith.addi %add3A_43, %select_n3A_62 : i32
    %get3A_64 = arith.constant 2 : i32
    %get3A_65 = arith.index_cast %get3A_64 : i32 to index
    %get3A_66 = arith.constant 0 : index
    %get3A_67 = tpu.vector_load %arg8[%get3A_65, %get3A_66] {strides = array<i32>} : memref<16x16xi32, #tpu.memory_space<vmem>>, vector<16xi32>,
    %reduce_max3A_68 = arith.constant true
    %reduce_max3A_69 = vector.broadcast %reduce_max3A_68 : i1 to vector<16xi1>
    %reduce_max3A_70 = arith.constant -2147483648 : i32
    %reduce_max3A_71 = vector.broadcast %reduce_max3A_70 : i32 to vector<16xi32>
    %reduce_max3A_72 = arith.xori %get3A_67, %reduce_max3A_71 : vector<16xi32>
    %reduce_max3A_73 = tpu.scan <max>, %reduce_max3A_72 masked %reduce_max3A_69 : vector<16xi32>, vector<16xi1> -> vector<16xi32>
    %reduce_max3A_74 = arith.xori %reduce_max3A_73, %reduce_max3A_71 : vector<16xi32>
    %reduce_max3A_75 = vector.extract %reduce_max3A_74[15] : i32 from vector<16xi32>
    %le3A_76 = arith.constant 2 : i32
    %le3A_77 = arith.cmpi sle, %mul3A_26, %le3A_76 : i32
    %gt3A_78 = arith.constant 2 : i32
    %gt3A_79 = arith.cmpi sgt, %arg1, %gt3A_78 : i32
    %and3A_80 = arith.andi %le3A_77, %gt3A_79 : i1
    %jit3A_81 = arith.constant 0 : i32
    %select_n3A_82 = arith.select %and3A_80, %reduce_max3A_75, %jit3A_81 : i32
    %add3A_83 = arith.addi %add3A_63, %select_n3A_82 : i32
    %get3A_84 = arith.constant 3 : i32
    %get3A_85 = arith.index_cast %get3A_84 : i32 to index
    %get3A_86 = arith.constant 0 : index
    %get3A_87 = tpu.vector_load %arg8[%get3A_85, %get3A_86] {strides = array<i32>} : memref<16x16xi32, #tpu.memory_space<vmem>>, vector<16xi32>,
    %reduce_max3A_88 = arith.constant true
    %reduce_max3A_89 = vector.broadcast %reduce_max3A_88 : i1 to vector<16xi1>
    %reduce_max3A_90 = arith.constant -2147483648 : i32
    %reduce_max3A_91 = vector.broadcast %reduce_max3A_90 : i32 to vector<16xi32>
    %reduce_max3A_92 = arith.xori %get3A_87, %reduce_max3A_91 : vector<16xi32>
    %reduce_max3A_93 = tpu.scan <max>, %reduce_max3A_92 masked %reduce_max3A_89 : vector<16xi32>, vector<16xi1> -> vector<16xi32>
    %reduce_max3A_94 = arith.xori %reduce_max3A_93, %reduce_max3A_91 : vector<16xi32>
    %reduce_max3A_95 = vector.extract %reduce_max3A_94[15] : i32 from vector<16xi32>
    %le3A_96 = arith.constant 3 : i32
    %le3A_97 = arith.cmpi sle, %mul3A_26, %le3A_96 : i32
    %gt3A_98 = arith.constant 3 : i32
    %gt3A_99 = arith.cmpi sgt, %arg1, %gt3A_98 : i32
    %and3A_100 = arith.andi %le3A_97, %gt3A_99 : i1
    %jit3A_101 = arith.constant 0 : i32
    %select_n3A_102 = arith.select %and3A_100, %reduce_max3A_95, %jit3A_101 : i32
    %add3A_103 = arith.addi %add3A_83, %select_n3A_102 : i32
    %get3A_104 = arith.constant 4 : i32
    %get3A_105 = arith.index_cast %get3A_104 : i32 to index
    %get3A_106 = arith.constant 0 : index
    %get3A_107 = tpu.vector_load %arg8[%get3A_105, %get3A_106] {strides = array<i32>} : memref<16x16xi32, #tpu.memory_space<vmem>>, vector<16xi32>,
    %reduce_max3A_108 = arith.constant true
    %reduce_max3A_109 = vector.broadcast %reduce_max3A_108 : i1 to vector<16xi1>
    %reduce_max3A_110 = arith.constant -2147483648 : i32
    %reduce_max3A_111 = vector.broadcast %reduce_max3A_110 : i32 to vector<16xi32>
    %reduce_max3A_112 = arith.xori %get3A_107, %reduce_max3A_111 : vector<16xi32>
    %reduce_max3A_113 = tpu.scan <max>, %reduce_max3A_112 masked %reduce_max3A_109 : vector<16xi32>, vector<16xi1> -> vector<16xi32>
    %reduce_max3A_114 = arith.xori %reduce_max3A_113, %reduce_max3A_111 : vector<16xi32>
    %reduce_max3A_115 = vector.extract %reduce_max3A_114[15] : i32 from vector<16xi32>
    %le3A_116 = arith.constant 4 : i32
    %le3A_117 = arith.cmpi sle, %mul3A_26, %le3A_116 : i32
    %gt3A_118 = arith.constant 4 : i32
    %gt3A_119 = arith.cmpi sgt, %arg1, %gt3A_118 : i32
    %and3A_120 = arith.andi %le3A_117, %gt3A_119 : i1
    %jit3A_121 = arith.constant 0 : i32
    %select_n3A_122 = arith.select %and3A_120, %reduce_max3A_115, %jit3A_121 : i32
    %add3A_123 = arith.addi %add3A_103, %select_n3A_122 : i32
    %get3A_124 = arith.constant 5 : i32
    %get3A_125 = arith.index_cast %get3A_124 : i32 to index
    %get3A_126 = arith.constant 0 : index
    %get3A_127 = tpu.vector_load %arg8[%get3A_125, %get3A_126] {strides = array<i32>} : memref<16x16xi32, #tpu.memory_space<vmem>>, vector<16xi32>,
    %reduce_max3A_128 = arith.constant true
    %reduce_max3A_129 = vector.broadcast %reduce_max3A_128 : i1 to vector<16xi1>
    %reduce_max3A_130 = arith.constant -2147483648 : i32
    %reduce_max3A_131 = vector.broadcast %reduce_max3A_130 : i32 to vector<16xi32>
    %reduce_max3A_132 = arith.xori %get3A_127, %reduce_max3A_131 : vector<16xi32>
    %reduce_max3A_133 = tpu.scan <max>, %reduce_max3A_132 masked %reduce_max3A_129 : vector<16xi32>, vector<16xi1> -> vector<16xi32>
    %reduce_max3A_134 = arith.xori %reduce_max3A_133, %reduce_max3A_131 : vector<16xi32>
    %reduce_max3A_135 = vector.extract %reduce_max3A_134[15] : i32 from vector<16xi32>
    %le3A_136 = arith.constant 5 : i32
    %le3A_137 = arith.cmpi sle, %mul3A_26, %le3A_136 : i32
    %gt3A_138 = arith.constant 5 : i32
    %gt3A_139 = arith.cmpi sgt, %arg1, %gt3A_138 : i32
    %and3A_140 = arith.andi %le3A_137, %gt3A_139 : i1
    %jit3A_141 = arith.constant 0 : i32
    %select_n3A_142 = arith.select %and3A_140, %reduce_max3A_135, %jit3A_141 : i32
    %add3A_143 = arith.addi %add3A_123, %select_n3A_142 : i32
    %get3A_144 = arith.constant 6 : i32
    %get3A_145 = arith.index_cast %get3A_144 : i32 to index
    %get3A_146 = arith.constant 0 : index
    %get3A_147 = tpu.vector_load %arg8[%get3A_145, %get3A_146] {strides = array<i32>} : memref<16x16xi32, #tpu.memory_space<vmem>>, vector<16xi32>,
    %reduce_max3A_148 = arith.constant true
    %reduce_max3A_149 = vector.broadcast %reduce_max3A_148 : i1 to vector<16xi1>
    %reduce_max3A_150 = arith.constant -2147483648 : i32
    %reduce_max3A_151 = vector.broadcast %reduce_max3A_150 : i32 to vector<16xi32>
    %reduce_max3A_152 = arith.xori %get3A_147, %reduce_max3A_151 : vector<16xi32>
    %reduce_max3A_153 = tpu.scan <max>, %reduce_max3A_152 masked %reduce_max3A_149 : vector<16xi32>, vector<16xi1> -> vector<16xi32>
    %reduce_max3A_154 = arith.xori %reduce_max3A_153, %reduce_max3A_151 : vector<16xi32>
    %reduce_max3A_155 = vector.extract %reduce_max3A_154[15] : i32 from vector<16xi32>
    %le3A_156 = arith.constant 6 : i32
    %le3A_157 = arith.cmpi sle, %mul3A_26, %le3A_156 : i32
    %gt3A_158 = arith.constant 6 : i32
    %gt3A_159 = arith.cmpi sgt, %arg1, %gt3A_158 : i32
    %and3A_160 = arith.andi %le3A_157, %gt3A_159 : i1
    %jit3A_161 = arith.constant 0 : i32
    %select_n3A_162 = arith.select %and3A_160, %reduce_max3A_155, %jit3A_161 : i32
    %add3A_163 = arith.addi %add3A_143, %select_n3A_162 : i32
    %get3A_164 = arith.constant 7 : i32
    %get3A_165 = arith.index_cast %get3A_164 : i32 to index
    %get3A_166 = arith.constant 0 : index
    %get3A_167 = tpu.vector_load %arg8[%get3A_165, %get3A_166] {strides = array<i32>} : memref<16x16xi32, #tpu.memory_space<vmem>>, vector<16xi32>,
    %reduce_max3A_168 = arith.constant true
    %reduce_max3A_169 = vector.broadcast %reduce_max3A_168 : i1 to vector<16xi1>
    %reduce_max3A_170 = arith.constant -2147483648 : i32
    %reduce_max3A_171 = vector.broadcast %reduce_max3A_170 : i32 to vector<16xi32>
    %reduce_max3A_172 = arith.xori %get3A_167, %reduce_max3A_171 : vector<16xi32>
    %reduce_max3A_173 = tpu.scan <max>, %reduce_max3A_172 masked %reduce_max3A_169 : vector<16xi32>, vector<16xi1> -> vector<16xi32>
    %reduce_max3A_174 = arith.xori %reduce_max3A_173, %reduce_max3A_171 : vector<16xi32>
    %reduce_max3A_175 = vector.extract %reduce_max3A_174[15] : i32 from vector<16xi32>
    %le3A_176 = arith.constant 7 : i32
    %le3A_177 = arith.cmpi sle, %mul3A_26, %le3A_176 : i32
    %gt3A_178 = arith.constant 7 : i32
    %gt3A_179 = arith.cmpi sgt, %arg1, %gt3A_178 : i32
    %and3A_180 = arith.andi %le3A_177, %gt3A_179 : i1
    %jit3A_181 = arith.constant 0 : i32
    %select_n3A_182 = arith.select %and3A_180, %reduce_max3A_175, %jit3A_181 : i32
    %add3A_183 = arith.addi %add3A_163, %select_n3A_182 : i32
    %get3A_184 = arith.constant 8 : i32
    %get3A_185 = arith.index_cast %get3A_184 : i32 to index
    %get3A_186 = arith.constant 0 : index
    %get3A_187 = tpu.vector_load %arg8[%get3A_185, %get3A_186] {strides = array<i32>} : memref<16x16xi32, #tpu.memory_space<vmem>>, vector<16xi32>,
    %reduce_max3A_188 = arith.constant true
    %reduce_max3A_189 = vector.broadcast %reduce_max3A_188 : i1 to vector<16xi1>
    %reduce_max3A_190 = arith.constant -2147483648 : i32
    %reduce_max3A_191 = vector.broadcast %reduce_max3A_190 : i32 to vector<16xi32>
    %reduce_max3A_192 = arith.xori %get3A_187, %reduce_max3A_191 : vector<16xi32>
    %reduce_max3A_193 = tpu.scan <max>, %reduce_max3A_192 masked %reduce_max3A_189 : vector<16xi32>, vector<16xi1> -> vector<16xi32>
    %reduce_max3A_194 = arith.xori %reduce_max3A_193, %reduce_max3A_191 : vector<16xi32>
    %reduce_max3A_195 = vector.extract %reduce_max3A_194[15] : i32 from vector<16xi32>
    %le3A_196 = arith.constant 8 : i32
    %le3A_197 = arith.cmpi sle, %mul3A_26, %le3A_196 : i32
    %gt3A_198 = arith.constant 8 : i32
    %gt3A_199 = arith.cmpi sgt, %arg1, %gt3A_198 : i32
    %and3A_200 = arith.andi %le3A_197, %gt3A_199 : i1
    %jit3A_201 = arith.constant 0 : i32
    %select_n3A_202 = arith.select %and3A_200, %reduce_max3A_195, %jit3A_201 : i32
    %add3A_203 = arith.addi %add3A_183, %select_n3A_202 : i32
    %get3A_204 = arith.constant 9 : i32
    %get3A_205 = arith.index_cast %get3A_204 : i32 to index
    %get3A_206 = arith.constant 0 : index
    %get3A_207 = tpu.vector_load %arg8[%get3A_205, %get3A_206] {strides = array<i32>} : memref<16x16xi32, #tpu.memory_space<vmem>>, vector<16xi32>,
    %reduce_max3A_208 = arith.constant true
    %reduce_max3A_209 = vector.broadcast %reduce_max3A_208 : i1 to vector<16xi1>
    %reduce_max3A_210 = arith.constant -2147483648 : i32
    %reduce_max3A_211 = vector.broadcast %reduce_max3A_210 : i32 to vector<16xi32>
    %reduce_max3A_212 = arith.xori %get3A_207, %reduce_max3A_211 : vector<16xi32>
    %reduce_max3A_213 = tpu.scan <max>, %reduce_max3A_212 masked %reduce_max3A_209 : vector<16xi32>, vector<16xi1> -> vector<16xi32>
    %reduce_max3A_214 = arith.xori %reduce_max3A_213, %reduce_max3A_211 : vector<16xi32>
    %reduce_max3A_215 = vector.extract %reduce_max3A_214[15] : i32 from vector<16xi32>
    %le3A_216 = arith.constant 9 : i32
    %le3A_217 = arith.cmpi sle, %mul3A_26, %le3A_216 : i32
    %gt3A_218 = arith.constant 9 : i32
    %gt3A_219 = arith.cmpi sgt, %arg1, %gt3A_218 : i32
    %and3A_220 = arith.andi %le3A_217, %gt3A_219 : i1
    %jit3A_221 = arith.constant 0 : i32
    %select_n3A_222 = arith.select %and3A_220, %reduce_max3A_215, %jit3A_221 : i32
    %add3A_223 = arith.addi %add3A_203, %select_n3A_222 : i32
    %get3A_224 = arith.constant 10 : i32
    %get3A_225 = arith.index_cast %get3A_224 : i32 to index
    %get3A_226 = arith.constant 0 : index
    %get3A_227 = tpu.vector_load %arg8[%get3A_225, %get3A_226] {strides = array<i32>} : memref<16x16xi32, #tpu.memory_space<vmem>>, vector<16xi32>,
    %reduce_max3A_228 = arith.constant true
    %reduce_max3A_229 = vector.broadcast %reduce_max3A_228 : i1 to vector<16xi1>
    %reduce_max3A_230 = arith.constant -2147483648 : i32
    %reduce_max3A_231 = vector.broadcast %reduce_max3A_230 : i32 to vector<16xi32>
    %reduce_max3A_232 = arith.xori %get3A_227, %reduce_max3A_231 : vector<16xi32>
    %reduce_max3A_233 = tpu.scan <max>, %reduce_max3A_232 masked %reduce_max3A_229 : vector<16xi32>, vector<16xi1> -> vector<16xi32>
    %reduce_max3A_234 = arith.xori %reduce_max3A_233, %reduce_max3A_231 : vector<16xi32>
    %reduce_max3A_235 = vector.extract %reduce_max3A_234[15] : i32 from vector<16xi32>
    %le3A_236 = arith.constant 10 : i32
    %le3A_237 = arith.cmpi sle, %mul3A_26, %le3A_236 : i32
    %gt3A_238 = arith.constant 10 : i32
    %gt3A_239 = arith.cmpi sgt, %arg1, %gt3A_238 : i32
    %and3A_240 = arith.andi %le3A_237, %gt3A_239 : i1
    %jit3A_241 = arith.constant 0 : i32
    %select_n3A_242 = arith.select %and3A_240, %reduce_max3A_235, %jit3A_241 : i32
    %add3A_243 = arith.addi %add3A_223, %select_n3A_242 : i32
    %get3A_244 = arith.constant 11 : i32
    %get3A_245 = arith.index_cast %get3A_244 : i32 to index
    %get3A_246 = arith.constant 0 : index
    %get3A_247 = tpu.vector_load %arg8[%get3A_245, %get3A_246] {strides = array<i32>} : memref<16x16xi32, #tpu.memory_space<vmem>>, vector<16xi32>,
    %reduce_max3A_248 = arith.constant true
    %reduce_max3A_249 = vector.broadcast %reduce_max3A_248 : i1 to vector<16xi1>
    %reduce_max3A_250 = arith.constant -2147483648 : i32
    %reduce_max3A_251 = vector.broadcast %reduce_max3A_250 : i32 to vector<16xi32>
    %reduce_max3A_252 = arith.xori %get3A_247, %reduce_max3A_251 : vector<16xi32>
    %reduce_max3A_253 = tpu.scan <max>, %reduce_max3A_252 masked %reduce_max3A_249 : vector<16xi32>, vector<16xi1> -> vector<16xi32>
    %reduce_max3A_254 = arith.xori %reduce_max3A_253, %reduce_max3A_251 : vector<16xi32>
    %reduce_max3A_255 = vector.extract %reduce_max3A_254[15] : i32 from vector<16xi32>
    %le3A_256 = arith.constant 11 : i32
    %le3A_257 = arith.cmpi sle, %mul3A_26, %le3A_256 : i32
    %gt3A_258 = arith.constant 11 : i32
    %gt3A_259 = arith.cmpi sgt, %arg1, %gt3A_258 : i32
    %and3A_260 = arith.andi %le3A_257, %gt3A_259 : i1
    %jit3A_261 = arith.constant 0 : i32
    %select_n3A_262 = arith.select %and3A_260, %reduce_max3A_255, %jit3A_261 : i32
    %add3A_263 = arith.addi %add3A_243, %select_n3A_262 : i32
    %get3A_264 = arith.constant 12 : i32
    %get3A_265 = arith.index_cast %get3A_264 : i32 to index
    %get3A_266 = arith.constant 0 : index
    %get3A_267 = tpu.vector_load %arg8[%get3A_265, %get3A_266] {strides = array<i32>} : memref<16x16xi32, #tpu.memory_space<vmem>>, vector<16xi32>,
    %reduce_max3A_268 = arith.constant true
    %reduce_max3A_269 = vector.broadcast %reduce_max3A_268 : i1 to vector<16xi1>
    %reduce_max3A_270 = arith.constant -2147483648 : i32
    %reduce_max3A_271 = vector.broadcast %reduce_max3A_270 : i32 to vector<16xi32>
    %reduce_max3A_272 = arith.xori %get3A_267, %reduce_max3A_271 : vector<16xi32>
    %reduce_max3A_273 = tpu.scan <max>, %reduce_max3A_272 masked %reduce_max3A_269 : vector<16xi32>, vector<16xi1> -> vector<16xi32>
    %reduce_max3A_274 = arith.xori %reduce_max3A_273, %reduce_max3A_271 : vector<16xi32>
    %reduce_max3A_275 = vector.extract %reduce_max3A_274[15] : i32 from vector<16xi32>
    %le3A_276 = arith.constant 12 : i32
    %le3A_277 = arith.cmpi sle, %mul3A_26, %le3A_276 : i32
    %gt3A_278 = arith.constant 12 : i32
    %gt3A_279 = arith.cmpi sgt, %arg1, %gt3A_278 : i32
    %and3A_280 = arith.andi %le3A_277, %gt3A_279 : i1
    %jit3A_281 = arith.constant 0 : i32
    %select_n3A_282 = arith.select %and3A_280, %reduce_max3A_275, %jit3A_281 : i32
    %add3A_283 = arith.addi %add3A_263, %select_n3A_282 : i32
    %get3A_284 = arith.constant 13 : i32
    %get3A_285 = arith.index_cast %get3A_284 : i32 to index
    %get3A_286 = arith.constant 0 : index
    %get3A_287 = tpu.vector_load %arg8[%get3A_285, %get3A_286] {strides = array<i32>} : memref<16x16xi32, #tpu.memory_space<vmem>>, vector<16xi32>,
    %reduce_max3A_288 = arith.constant true
    %reduce_max3A_289 = vector.broadcast %reduce_max3A_288 : i1 to vector<16xi1>
    %reduce_max3A_290 = arith.constant -2147483648 : i32
    %reduce_max3A_291 = vector.broadcast %reduce_max3A_290 : i32 to vector<16xi32>
    %reduce_max3A_292 = arith.xori %get3A_287, %reduce_max3A_291 : vector<16xi32>
    %reduce_max3A_293 = tpu.scan <max>, %reduce_max3A_292 masked %reduce_max3A_289 : vector<16xi32>, vector<16xi1> -> vector<16xi32>
    %reduce_max3A_294 = arith.xori %reduce_max3A_293, %reduce_max3A_291 : vector<16xi32>
    %reduce_max3A_295 = vector.extract %reduce_max3A_294[15] : i32 from vector<16xi32>
    %le3A_296 = arith.constant 13 : i32
    %le3A_297 = arith.cmpi sle, %mul3A_26, %le3A_296 : i32
    %gt3A_298 = arith.constant 13 : i32
    %gt3A_299 = arith.cmpi sgt, %arg1, %gt3A_298 : i32
    %and3A_300 = arith.andi %le3A_297, %gt3A_299 : i1
    %jit3A_301 = arith.constant 0 : i32
    %select_n3A_302 = arith.select %and3A_300, %reduce_max3A_295, %jit3A_301 : i32
    %add3A_303 = arith.addi %add3A_283, %select_n3A_302 : i32
    %get3A_304 = arith.constant 14 : i32
    %get3A_305 = arith.index_cast %get3A_304 : i32 to index
    %get3A_306 = arith.constant 0 : index
    %get3A_307 = tpu.vector_load %arg8[%get3A_305, %get3A_306] {strides = array<i32>} : memref<16x16xi32, #tpu.memory_space<vmem>>, vector<16xi32>,
    %reduce_max3A_308 = arith.constant true
    %reduce_max3A_309 = vector.broadcast %reduce_max3A_308 : i1 to vector<16xi1>
    %reduce_max3A_310 = arith.constant -2147483648 : i32
    %reduce_max3A_311 = vector.broadcast %reduce_max3A_310 : i32 to vector<16xi32>
    %reduce_max3A_312 = arith.xori %get3A_307, %reduce_max3A_311 : vector<16xi32>
    %reduce_max3A_313 = tpu.scan <max>, %reduce_max3A_312 masked %reduce_max3A_309 : vector<16xi32>, vector<16xi1> -> vector<16xi32>
    %reduce_max3A_314 = arith.xori %reduce_max3A_313, %reduce_max3A_311 : vector<16xi32>
    %reduce_max3A_315 = vector.extract %reduce_max3A_314[15] : i32 from vector<16xi32>
    %le3A_316 = arith.constant 14 : i32
    %le3A_317 = arith.cmpi sle, %mul3A_26, %le3A_316 : i32
    %gt3A_318 = arith.constant 14 : i32
    %gt3A_319 = arith.cmpi sgt, %arg1, %gt3A_318 : i32
    %and3A_320 = arith.andi %le3A_317, %gt3A_319 : i1
    %jit3A_321 = arith.constant 0 : i32
    %select_n3A_322 = arith.select %and3A_320, %reduce_max3A_315, %jit3A_321 : i32
    %add3A_323 = arith.addi %add3A_303, %select_n3A_322 : i32
    %get3A_324 = arith.constant 15 : i32
    %get3A_325 = arith.index_cast %get3A_324 : i32 to index
    %get3A_326 = arith.constant 0 : index
    %get3A_327 = tpu.vector_load %arg8[%get3A_325, %get3A_326] {strides = array<i32>} : memref<16x16xi32, #tpu.memory_space<vmem>>, vector<16xi32>,
    %reduce_max3A_328 = arith.constant true
    %reduce_max3A_329 = vector.broadcast %reduce_max3A_328 : i1 to vector<16xi1>
    %reduce_max3A_330 = arith.constant -2147483648 : i32
    %reduce_max3A_331 = vector.broadcast %reduce_max3A_330 : i32 to vector<16xi32>
    %reduce_max3A_332 = arith.xori %get3A_327, %reduce_max3A_331 : vector<16xi32>
    %reduce_max3A_333 = tpu.scan <max>, %reduce_max3A_332 masked %reduce_max3A_329 : vector<16xi32>, vector<16xi1> -> vector<16xi32>
    %reduce_max3A_334 = arith.xori %reduce_max3A_333, %reduce_max3A_331 : vector<16xi32>
    %reduce_max3A_335 = vector.extract %reduce_max3A_334[15] : i32 from vector<16xi32>
    %le3A_336 = arith.constant 15 : i32
    %le3A_337 = arith.cmpi sle, %mul3A_26, %le3A_336 : i32
    %gt3A_338 = arith.constant 15 : i32
    %gt3A_339 = arith.cmpi sgt, %arg1, %gt3A_338 : i32
    %and3A_340 = arith.andi %le3A_337, %gt3A_339 : i1
    %jit3A_341 = arith.constant 0 : i32
    %select_n3A_342 = arith.select %and3A_340, %reduce_max3A_335, %jit3A_341 : i32
    %add3A_343 = arith.addi %add3A_323, %select_n3A_342 : i32
    %scan3A_344 = arith.constant 0 : i32
    %scan3A_345 = arith.constant 64 : i32
    %scan3A_346 = arith.addi %scan3A_344, %scan3A_345 : i32
    %scan3A_347 = arith.constant 1 : i32
    scf.for %scan3A_592 = %scan3A_344 to %scan3A_346 step %scan3A_347  : i32 {
      %mul3A_593 = arith.constant 1 : i32
      %mul3A_594 = arith.muli %scan3A_592, %mul3A_593 : i32
      %add3A_595 = arith.constant 0 : i32
      %add3A_596 = arith.addi %add3A_595, %mul3A_594 : i32
      %get3A_597 = arith.index_cast %add3A_596 : i32 to index
      %get3A_598 = arith.constant 0 : index
      %get3A_599 = tpu.vector_load %arg5[%get3A_597, %get3A_598] {strides = array<i32>} : memref<64x16xi32, #tpu.memory_space<vmem>>, vector<16xi32>,
      %ne3A_600 = arith.constant 1 : i32
      %ne3A_601 = vector.broadcast %ne3A_600 : i32 to vector<16xi32>
      %ne3A_602 = arith.cmpi ne, %get3A_599, %ne3A_601 : vector<16xi32>
      %jit3A_603 = arith.constant 1 : i32
      %jit3A_604 = arith.constant 0 : i32
      %broadcast_in_dim3A_605 = vector.broadcast %jit3A_603 : i32 to vector<16xi32>
      %broadcast_in_dim3A_606 = vector.broadcast %jit3A_604 : i32 to vector<16xi32>
      %select_n3A_607 = arith.select %ne3A_602, %broadcast_in_dim3A_605, %broadcast_in_dim3A_606 : vector<16xi1>, vector<16xi32>
      %get3A_608 = arith.index_cast %add3A_596 : i32 to index
      %get3A_609 = arith.constant 0 : index
      %get3A_610 = tpu.vector_load %arg6[%get3A_608, %get3A_609] {strides = array<i32>} : memref<64x16xi32, #tpu.memory_space<vmem>>, vector<16xi32>,
      %add3A_611 = vector.broadcast %add3A_343 : i32 to vector<16xi32>
      %add3A_612 = arith.addi %get3A_610, %add3A_611 : vector<16xi32>
      %mul3A_613 = arith.muli %add3A_612, %select_n3A_607 : vector<16xi32>
      %add3A_614 = arith.constant 1 : i32
      %add3A_615 = vector.broadcast %add3A_614 : i32 to vector<16xi32>
      %add3A_616 = arith.addi %mul3A_613, %add3A_615 : vector<16xi32>
      %swap3A_617 = arith.index_cast %add3A_596 : i32 to index
      %swap3A_618 = arith.constant 0 : index
      %swap3A_619 = tpu.vector_load %arg6[%swap3A_617, %swap3A_618] {strides = array<i32>} : memref<64x16xi32, #tpu.memory_space<vmem>>, vector<16xi32>,
      tpu.vector_store %arg6[%swap3A_617, %swap3A_618], %add3A_616 {strides = array<i32>} : memref<64x16xi32, #tpu.memory_space<vmem>>, vector<16xi32>,
    }
    %scan3A_348 = arith.constant 64 : i32
    %dma_start3A = arith.constant 0 : i32
    %dma_start3A_349 = arith.constant 0 : i32
    %dma_start3A_350 = tpu.memref_slice %arg6[%dma_start3A, %dma_start3A_349] : memref<64x16xi32, #tpu.memory_space<vmem>> -> memref<1x16xi32, #tpu.memory_space<vmem>>
    %dma_start3A_351 = tpu.memref_squeeze %dma_start3A_350 : memref<1x16xi32, #tpu.memory_space<vmem>> -> memref<16xi32, #tpu.memory_space<vmem>>
    %dma_start3A_352 = arith.constant 0 : i32
    %dma_start3A_353 = arith.constant 0 : i32
    %dma_start3A_354 = tpu.memref_slice %arg3[%dma_start3A_352, %dma_start3A_353] : memref<8194x1024xf32, #tpu.memory_space<hbm>> -> memref<8194x1024xf32, #tpu.memory_space<hbm>>
    tpu.enqueue_indirect_dma source(%dma_start3A_354 : memref<8194x1024xf32, #tpu.memory_space<hbm>>) target(%arg10 : memref<16x1024xf32, #tpu.memory_space<vmem>>) offsets(%dma_start3A_351 : memref<16xi32, #tpu.memory_space<vmem>>) semaphore(%arg16 : memref<!tpu.dma_semaphore, #tpu.memory_space<semaphore_mem>>)
    %dma_start3A_355 = arith.constant 1 : i32
    %dma_start3A_356 = arith.constant 0 : i32
    %dma_start3A_357 = tpu.memref_slice %arg6[%dma_start3A_355, %dma_start3A_356] : memref<64x16xi32, #tpu.memory_space<vmem>> -> memref<1x16xi32, #tpu.memory_space<vmem>>
    %dma_start3A_358 = tpu.memref_squeeze %dma_start3A_357 : memref<1x16xi32, #tpu.memory_space<vmem>> -> memref<16xi32, #tpu.memory_space<vmem>>
    %dma_start3A_359 = arith.constant 0 : i32
    %dma_start3A_360 = arith.constant 0 : i32
    %dma_start3A_361 = tpu.memref_slice %arg3[%dma_start3A_359, %dma_start3A_360] : memref<8194x1024xf32, #tpu.memory_space<hbm>> -> memref<8194x1024xf32, #tpu.memory_space<hbm>>
    tpu.enqueue_indirect_dma source(%dma_start3A_361 : memref<8194x1024xf32, #tpu.memory_space<hbm>>) target(%arg11 : memref<16x1024xf32, #tpu.memory_space<vmem>>) offsets(%dma_start3A_358 : memref<16xi32, #tpu.memory_space<vmem>>) semaphore(%arg17 : memref<!tpu.dma_semaphore, #tpu.memory_space<semaphore_mem>>)
    %dma_start3A_362 = arith.constant 2 : i32
    %dma_start3A_363 = arith.constant 0 : i32
    %dma_start3A_364 = tpu.memref_slice %arg6[%dma_start3A_362, %dma_start3A_363] : memref<64x16xi32, #tpu.memory_space<vmem>> -> memref<1x16xi32, #tpu.memory_space<vmem>>
    %dma_start3A_365 = tpu.memref_squeeze %dma_start3A_364 : memref<1x16xi32, #tpu.memory_space<vmem>> -> memref<16xi32, #tpu.memory_space<vmem>>
    %dma_start3A_366 = arith.constant 0 : i32
    %dma_start3A_367 = arith.constant 0 : i32
    %dma_start3A_368 = tpu.memref_slice %arg3[%dma_start3A_366, %dma_start3A_367] : memref<8194x1024xf32, #tpu.memory_space<hbm>> -> memref<8194x1024xf32, #tpu.memory_space<hbm>>
    tpu.enqueue_indirect_dma source(%dma_start3A_368 : memref<8194x1024xf32, #tpu.memory_space<hbm>>) target(%arg12 : memref<16x1024xf32, #tpu.memory_space<vmem>>) offsets(%dma_start3A_365 : memref<16xi32, #tpu.memory_space<vmem>>) semaphore(%arg18 : memref<!tpu.dma_semaphore, #tpu.memory_space<semaphore_mem>>)
    %dma_wait3A = arith.constant 0 : i32
    %dma_wait3A_369 = arith.constant 0 : i32
    %dma_wait3A_370 = tpu.memref_slice %arg6[%dma_wait3A, %dma_wait3A_369] : memref<64x16xi32, #tpu.memory_space<vmem>> -> memref<1x16xi32, #tpu.memory_space<vmem>>
    %dma_wait3A_371 = tpu.memref_squeeze %dma_wait3A_370 : memref<1x16xi32, #tpu.memory_space<vmem>> -> memref<16xi32, #tpu.memory_space<vmem>>
    %dma_wait3A_372 = arith.constant 0 : i32
    %dma_wait3A_373 = arith.constant 0 : i32
    %dma_wait3A_374 = tpu.memref_slice %arg3[%dma_wait3A_372, %dma_wait3A_373] : memref<8194x1024xf32, #tpu.memory_space<hbm>> -> memref<8194x1024xf32, #tpu.memory_space<hbm>>
    tpu.wait_indirect_dma semaphore(%arg16 : memref<!tpu.dma_semaphore, #tpu.memory_space<semaphore_mem>>) src(%dma_wait3A_374 : memref<8194x1024xf32, #tpu.memory_space<hbm>>) dst(%arg10 : memref<16x1024xf32, #tpu.memory_space<vmem>>)
    %add3A_375 = arith.constant 0 : i32
    %add3A_376 = arith.addi %mul3A_2, %add3A_375 : i32
    %dma_start3A_377 = arith.constant 0 : i32
    %dma_start3A_378 = tpu.memref_slice %arg4[%add3A_376, %dma_start3A_377] : memref<32768x1024xf32, #tpu.memory_space<hbm>> -> memref<16x1024xf32, #tpu.memory_space<hbm>>
    %dma_start3A_379 = arith.constant 0 : i32
    %dma_start3A_380 = tpu.memref_slice %arg4[%add3A_376, %dma_start3A_379] : memref<32768x1024xf32, #tpu.memory_space<hbm>> -> memref<16x1024xf32, #tpu.memory_space<hbm>>
    tpu.enqueue_dma source(%arg10 : memref<16x1024xf32, #tpu.memory_space<vmem>>) target(%dma_start3A_380 : memref<16x1024xf32, #tpu.memory_space<hbm>>) target_semaphore(%arg22 : memref<!tpu.dma_semaphore, #tpu.memory_space<semaphore_mem>>)
    %dma_start3A_381 = arith.constant 3 : i32
    %dma_start3A_382 = arith.constant 0 : i32
    %dma_start3A_383 = tpu.memref_slice %arg6[%dma_start3A_381, %dma_start3A_382] : memref<64x16xi32, #tpu.memory_space<vmem>> -> memref<1x16xi32, #tpu.memory_space<vmem>>
    %dma_start3A_384 = tpu.memref_squeeze %dma_start3A_383 : memref<1x16xi32, #tpu.memory_space<vmem>> -> memref<16xi32, #tpu.memory_space<vmem>>
    %dma_start3A_385 = arith.constant 0 : i32
    %dma_start3A_386 = arith.constant 0 : i32
    %dma_start3A_387 = tpu.memref_slice %arg3[%dma_start3A_385, %dma_start3A_386] : memref<8194x1024xf32, #tpu.memory_space<hbm>> -> memref<8194x1024xf32, #tpu.memory_space<hbm>>
    tpu.enqueue_indirect_dma source(%dma_start3A_387 : memref<8194x1024xf32, #tpu.memory_space<hbm>>) target(%arg13 : memref<16x1024xf32, #tpu.memory_space<vmem>>) offsets(%dma_start3A_384 : memref<16xi32, #tpu.memory_space<vmem>>) semaphore(%arg19 : memref<!tpu.dma_semaphore, #tpu.memory_space<semaphore_mem>>)
    %dma_wait3A_388 = arith.constant 0 : i32
    %dma_wait3A_389 = arith.constant 0 : i32
    %dma_wait3A_390 = tpu.memref_slice %arg6[%dma_wait3A_388, %dma_wait3A_389] : memref<64x16xi32, #tpu.memory_space<vmem>> -> memref<1x16xi32, #tpu.memory_space<vmem>>
    %dma_wait3A_391 = tpu.memref_squeeze %dma_wait3A_390 : memref<1x16xi32, #tpu.memory_space<vmem>> -> memref<16xi32, #tpu.memory_space<vmem>>
    %dma_wait3A_392 = arith.constant 0 : i32
    %dma_wait3A_393 = arith.constant 0 : i32
    %dma_wait3A_394 = tpu.memref_slice %arg3[%dma_wait3A_392, %dma_wait3A_393] : memref<8194x1024xf32, #tpu.memory_space<hbm>> -> memref<8194x1024xf32, #tpu.memory_space<hbm>>
    tpu.wait_indirect_dma semaphore(%arg17 : memref<!tpu.dma_semaphore, #tpu.memory_space<semaphore_mem>>) src(%dma_wait3A_394 : memref<8194x1024xf32, #tpu.memory_space<hbm>>) dst(%arg11 : memref<16x1024xf32, #tpu.memory_space<vmem>>)
    %add3A_395 = arith.constant 16 : i32
    %add3A_396 = arith.addi %mul3A_2, %add3A_395 : i32
    %dma_start3A_397 = arith.constant 0 : i32
    %dma_start3A_398 = tpu.memref_slice %arg4[%add3A_396, %dma_start3A_397] : memref<32768x1024xf32, #tpu.memory_space<hbm>> -> memref<16x1024xf32, #tpu.memory_space<hbm>>
    %dma_start3A_399 = arith.constant 0 : i32
    %dma_start3A_400 = tpu.memref_slice %arg4[%add3A_396, %dma_start3A_399] : memref<32768x1024xf32, #tpu.memory_space<hbm>> -> memref<16x1024xf32, #tpu.memory_space<hbm>>
    tpu.enqueue_dma source(%arg11 : memref<16x1024xf32, #tpu.memory_space<vmem>>) target(%dma_start3A_400 : memref<16x1024xf32, #tpu.memory_space<hbm>>) target_semaphore(%arg23 : memref<!tpu.dma_semaphore, #tpu.memory_space<semaphore_mem>>)
    %dma_start3A_401 = arith.constant 4 : i32
    %dma_start3A_402 = arith.constant 0 : i32
    %dma_start3A_403 = tpu.memref_slice %arg6[%dma_start3A_401, %dma_start3A_402] : memref<64x16xi32, #tpu.memory_space<vmem>> -> memref<1x16xi32, #tpu.memory_space<vmem>>
    %dma_start3A_404 = tpu.memref_squeeze %dma_start3A_403 : memref<1x16xi32, #tpu.memory_space<vmem>> -> memref<16xi32, #tpu.memory_space<vmem>>
    %dma_start3A_405 = arith.constant 0 : i32
    %dma_start3A_406 = arith.constant 0 : i32
    %dma_start3A_407 = tpu.memref_slice %arg3[%dma_start3A_405, %dma_start3A_406] : memref<8194x1024xf32, #tpu.memory_space<hbm>> -> memref<8194x1024xf32, #tpu.memory_space<hbm>>
    tpu.enqueue_indirect_dma source(%dma_start3A_407 : memref<8194x1024xf32, #tpu.memory_space<hbm>>) target(%arg14 : memref<16x1024xf32, #tpu.memory_space<vmem>>) offsets(%dma_start3A_404 : memref<16xi32, #tpu.memory_space<vmem>>) semaphore(%arg20 : memref<!tpu.dma_semaphore, #tpu.memory_space<semaphore_mem>>)
    %dma_wait3A_408 = arith.constant 0 : i32
    %dma_wait3A_409 = arith.constant 0 : i32
    %dma_wait3A_410 = tpu.memref_slice %arg6[%dma_wait3A_408, %dma_wait3A_409] : memref<64x16xi32, #tpu.memory_space<vmem>> -> memref<1x16xi32, #tpu.memory_space<vmem>>
    %dma_wait3A_411 = tpu.memref_squeeze %dma_wait3A_410 : memref<1x16xi32, #tpu.memory_space<vmem>> -> memref<16xi32, #tpu.memory_space<vmem>>
    %dma_wait3A_412 = arith.constant 0 : i32
    %dma_wait3A_413 = arith.constant 0 : i32
    %dma_wait3A_414 = tpu.memref_slice %arg3[%dma_wait3A_412, %dma_wait3A_413] : memref<8194x1024xf32, #tpu.memory_space<hbm>> -> memref<8194x1024xf32, #tpu.memory_space<hbm>>
    tpu.wait_indirect_dma semaphore(%arg18 : memref<!tpu.dma_semaphore, #tpu.memory_space<semaphore_mem>>) src(%dma_wait3A_414 : memref<8194x1024xf32, #tpu.memory_space<hbm>>) dst(%arg12 : memref<16x1024xf32, #tpu.memory_space<vmem>>)
    %add3A_415 = arith.constant 32 : i32
    %add3A_416 = arith.addi %mul3A_2, %add3A_415 : i32
    %dma_start3A_417 = arith.constant 0 : i32
    %dma_start3A_418 = tpu.memref_slice %arg4[%add3A_416, %dma_start3A_417] : memref<32768x1024xf32, #tpu.memory_space<hbm>> -> memref<16x1024xf32, #tpu.memory_space<hbm>>
    %dma_start3A_419 = arith.constant 0 : i32
    %dma_start3A_420 = tpu.memref_slice %arg4[%add3A_416, %dma_start3A_419] : memref<32768x1024xf32, #tpu.memory_space<hbm>> -> memref<16x1024xf32, #tpu.memory_space<hbm>>
    tpu.enqueue_dma source(%arg12 : memref<16x1024xf32, #tpu.memory_space<vmem>>) target(%dma_start3A_420 : memref<16x1024xf32, #tpu.memory_space<hbm>>) target_semaphore(%arg24 : memref<!tpu.dma_semaphore, #tpu.memory_space<semaphore_mem>>)
    %dma_start3A_421 = arith.constant 5 : i32
    %dma_start3A_422 = arith.constant 0 : i32
    %dma_start3A_423 = tpu.memref_slice %arg6[%dma_start3A_421, %dma_start3A_422] : memref<64x16xi32, #tpu.memory_space<vmem>> -> memref<1x16xi32, #tpu.memory_space<vmem>>
    %dma_start3A_424 = tpu.memref_squeeze %dma_start3A_423 : memref<1x16xi32, #tpu.memory_space<vmem>> -> memref<16xi32, #tpu.memory_space<vmem>>
    %dma_start3A_425 = arith.constant 0 : i32
    %dma_start3A_426 = arith.constant 0 : i32
    %dma_start3A_427 = tpu.memref_slice %arg3[%dma_start3A_425, %dma_start3A_426] : memref<8194x1024xf32, #tpu.memory_space<hbm>> -> memref<8194x1024xf32, #tpu.memory_space<hbm>>
    tpu.enqueue_indirect_dma source(%dma_start3A_427 : memref<8194x1024xf32, #tpu.memory_space<hbm>>) target(%arg15 : memref<16x1024xf32, #tpu.memory_space<vmem>>) offsets(%dma_start3A_424 : memref<16xi32, #tpu.memory_space<vmem>>) semaphore(%arg21 : memref<!tpu.dma_semaphore, #tpu.memory_space<semaphore_mem>>)
    %dma_wait3A_428 = arith.constant 0 : i32
    %dma_wait3A_429 = arith.constant 0 : i32
    %dma_wait3A_430 = tpu.memref_slice %arg6[%dma_wait3A_428, %dma_wait3A_429] : memref<64x16xi32, #tpu.memory_space<vmem>> -> memref<1x16xi32, #tpu.memory_space<vmem>>
    %dma_wait3A_431 = tpu.memref_squeeze %dma_wait3A_430 : memref<1x16xi32, #tpu.memory_space<vmem>> -> memref<16xi32, #tpu.memory_space<vmem>>
    %dma_wait3A_432 = arith.constant 0 : i32
    %dma_wait3A_433 = arith.constant 0 : i32
    %dma_wait3A_434 = tpu.memref_slice %arg3[%dma_wait3A_432, %dma_wait3A_433] : memref<8194x1024xf32, #tpu.memory_space<hbm>> -> memref<8194x1024xf32, #tpu.memory_space<hbm>>
    tpu.wait_indirect_dma semaphore(%arg19 : memref<!tpu.dma_semaphore, #tpu.memory_space<semaphore_mem>>) src(%dma_wait3A_434 : memref<8194x1024xf32, #tpu.memory_space<hbm>>) dst(%arg13 : memref<16x1024xf32, #tpu.memory_space<vmem>>)
    %add3A_435 = arith.constant 48 : i32
    %add3A_436 = arith.addi %mul3A_2, %add3A_435 : i32
    %dma_start3A_437 = arith.constant 0 : i32
    %dma_start3A_438 = tpu.memref_slice %arg4[%add3A_436, %dma_start3A_437] : memref<32768x1024xf32, #tpu.memory_space<hbm>> -> memref<16x1024xf32, #tpu.memory_space<hbm>>
    %dma_start3A_439 = arith.constant 0 : i32
    %dma_start3A_440 = tpu.memref_slice %arg4[%add3A_436, %dma_start3A_439] : memref<32768x1024xf32, #tpu.memory_space<hbm>> -> memref<16x1024xf32, #tpu.memory_space<hbm>>
    tpu.enqueue_dma source(%arg13 : memref<16x1024xf32, #tpu.memory_space<vmem>>) target(%dma_start3A_440 : memref<16x1024xf32, #tpu.memory_space<hbm>>) target_semaphore(%arg25 : memref<!tpu.dma_semaphore, #tpu.memory_space<semaphore_mem>>)
    %dma_wait3A_441 = arith.constant 0 : i32
    %dma_wait3A_442 = tpu.memref_slice %arg4[%mul3A_2, %dma_wait3A_441] : memref<32768x1024xf32, #tpu.memory_space<hbm>> -> memref<16x1024xf32, #tpu.memory_space<hbm>>
    %dma_wait3A_443 = arith.constant 0 : i32
    %dma_wait3A_444 = tpu.memref_slice %arg4[%mul3A_2, %dma_wait3A_443] : memref<32768x1024xf32, #tpu.memory_space<hbm>> -> memref<16x1024xf32, #tpu.memory_space<hbm>>
    tpu.wait_dma2 semaphore(%arg22 : memref<!tpu.dma_semaphore, #tpu.memory_space<semaphore_mem>>) src(%arg10 : memref<16x1024xf32, #tpu.memory_space<vmem>>) dst(%dma_wait3A_444 : memref<16x1024xf32, #tpu.memory_space<hbm>>)
    %dma_start3A_445 = arith.constant 6 : i32
    %dma_start3A_446 = arith.constant 0 : i32
    %dma_start3A_447 = tpu.memref_slice %arg6[%dma_start3A_445, %dma_start3A_446] : memref<64x16xi32, #tpu.memory_space<vmem>> -> memref<1x16xi32, #tpu.memory_space<vmem>>
    %dma_start3A_448 = tpu.memref_squeeze %dma_start3A_447 : memref<1x16xi32, #tpu.memory_space<vmem>> -> memref<16xi32, #tpu.memory_space<vmem>>
    %dma_start3A_449 = arith.constant 0 : i32
    %dma_start3A_450 = arith.constant 0 : i32
    %dma_start3A_451 = tpu.memref_slice %arg3[%dma_start3A_449, %dma_start3A_450] : memref<8194x1024xf32, #tpu.memory_space<hbm>> -> memref<8194x1024xf32, #tpu.memory_space<hbm>>
    tpu.enqueue_indirect_dma source(%dma_start3A_451 : memref<8194x1024xf32, #tpu.memory_space<hbm>>) target(%arg10 : memref<16x1024xf32, #tpu.memory_space<vmem>>) offsets(%dma_start3A_448 : memref<16xi32, #tpu.memory_space<vmem>>) semaphore(%arg16 : memref<!tpu.dma_semaphore, #tpu.memory_space<semaphore_mem>>)
    %dma_wait3A_452 = arith.constant 0 : i32
    %dma_wait3A_453 = arith.constant 0 : i32
    %dma_wait3A_454 = tpu.memref_slice %arg6[%dma_wait3A_452, %dma_wait3A_453] : memref<64x16xi32, #tpu.memory_space<vmem>> -> memref<1x16xi32, #tpu.memory_space<vmem>>
    %dma_wait3A_455 = tpu.memref_squeeze %dma_wait3A_454 : memref<1x16xi32, #tpu.memory_space<vmem>> -> memref<16xi32, #tpu.memory_space<vmem>>
    %dma_wait3A_456 = arith.constant 0 : i32
    %dma_wait3A_457 = arith.constant 0 : i32
    %dma_wait3A_458 = tpu.memref_slice %arg3[%dma_wait3A_456, %dma_wait3A_457] : memref<8194x1024xf32, #tpu.memory_space<hbm>> -> memref<8194x1024xf32, #tpu.memory_space<hbm>>
    tpu.wait_indirect_dma semaphore(%arg20 : memref<!tpu.dma_semaphore, #tpu.memory_space<semaphore_mem>>) src(%dma_wait3A_458 : memref<8194x1024xf32, #tpu.memory_space<hbm>>) dst(%arg14 : memref<16x1024xf32, #tpu.memory_space<vmem>>)
    %add3A_459 = arith.constant 64 : i32
    %add3A_460 = arith.addi %mul3A_2, %add3A_459 : i32
    %dma_start3A_461 = arith.constant 0 : i32
    %dma_start3A_462 = tpu.memref_slice %arg4[%add3A_460, %dma_start3A_461] : memref<32768x1024xf32, #tpu.memory_space<hbm>> -> memref<16x1024xf32, #tpu.memory_space<hbm>>
    %dma_start3A_463 = arith.constant 0 : i32
    %dma_start3A_464 = tpu.memref_slice %arg4[%add3A_460, %dma_start3A_463] : memref<32768x1024xf32, #tpu.memory_space<hbm>> -> memref<16x1024xf32, #tpu.memory_space<hbm>>
    tpu.enqueue_dma source(%arg14 : memref<16x1024xf32, #tpu.memory_space<vmem>>) target(%dma_start3A_464 : memref<16x1024xf32, #tpu.memory_space<hbm>>) target_semaphore(%arg26 : memref<!tpu.dma_semaphore, #tpu.memory_space<semaphore_mem>>)
    %dma_wait3A_465 = arith.constant 0 : i32
    %dma_wait3A_466 = tpu.memref_slice %arg4[%mul3A_2, %dma_wait3A_465] : memref<32768x1024xf32, #tpu.memory_space<hbm>> -> memref<16x1024xf32, #tpu.memory_space<hbm>>
    %dma_wait3A_467 = arith.constant 0 : i32
    %dma_wait3A_468 = tpu.memref_slice %arg4[%mul3A_2, %dma_wait3A_467] : memref<32768x1024xf32, #tpu.memory_space<hbm>> -> memref<16x1024xf32, #tpu.memory_space<hbm>>
    tpu.wait_dma2 semaphore(%arg23 : memref<!tpu.dma_semaphore, #tpu.memory_space<semaphore_mem>>) src(%arg11 : memref<16x1024xf32, #tpu.memory_space<vmem>>) dst(%dma_wait3A_468 : memref<16x1024xf32, #tpu.memory_space<hbm>>)
    %dma_start3A_469 = arith.constant 7 : i32
    %dma_start3A_470 = arith.constant 0 : i32
    %dma_start3A_471 = tpu.memref_slice %arg6[%dma_start3A_469, %dma_start3A_470] : memref<64x16xi32, #tpu.memory_space<vmem>> -> memref<1x16xi32, #tpu.memory_space<vmem>>
    %dma_start3A_472 = tpu.memref_squeeze %dma_start3A_471 : memref<1x16xi32, #tpu.memory_space<vmem>> -> memref<16xi32, #tpu.memory_space<vmem>>
    %dma_start3A_473 = arith.constant 0 : i32
    %dma_start3A_474 = arith.constant 0 : i32
    %dma_start3A_475 = tpu.memref_slice %arg3[%dma_start3A_473, %dma_start3A_474] : memref<8194x1024xf32, #tpu.memory_space<hbm>> -> memref<8194x1024xf32, #tpu.memory_space<hbm>>
    tpu.enqueue_indirect_dma source(%dma_start3A_475 : memref<8194x1024xf32, #tpu.memory_space<hbm>>) target(%arg11 : memref<16x1024xf32, #tpu.memory_space<vmem>>) offsets(%dma_start3A_472 : memref<16xi32, #tpu.memory_space<vmem>>) semaphore(%arg17 : memref<!tpu.dma_semaphore, #tpu.memory_space<semaphore_mem>>)
    %dma_wait3A_476 = arith.constant 0 : i32
    %dma_wait3A_477 = arith.constant 0 : i32
    %dma_wait3A_478 = tpu.memref_slice %arg6[%dma_wait3A_476, %dma_wait3A_477] : memref<64x16xi32, #tpu.memory_space<vmem>> -> memref<1x16xi32, #tpu.memory_space<vmem>>
    %dma_wait3A_479 = tpu.memref_squeeze %dma_wait3A_478 : memref<1x16xi32, #tpu.memory_space<vmem>> -> memref<16xi32, #tpu.memory_space<vmem>>
    %dma_wait3A_480 = arith.constant 0 : i32
    %dma_wait3A_481 = arith.constant 0 : i32
    %dma_wait3A_482 = tpu.memref_slice %arg3[%dma_wait3A_480, %dma_wait3A_481] : memref<8194x1024xf32, #tpu.memory_space<hbm>> -> memref<8194x1024xf32, #tpu.memory_space<hbm>>
    tpu.wait_indirect_dma semaphore(%arg21 : memref<!tpu.dma_semaphore, #tpu.memory_space<semaphore_mem>>) src(%dma_wait3A_482 : memref<8194x1024xf32, #tpu.memory_space<hbm>>) dst(%arg15 : memref<16x1024xf32, #tpu.memory_space<vmem>>)
    %add3A_483 = arith.constant 80 : i32
    %add3A_484 = arith.addi %mul3A_2, %add3A_483 : i32
    %dma_start3A_485 = arith.constant 0 : i32
    %dma_start3A_486 = tpu.memref_slice %arg4[%add3A_484, %dma_start3A_485] : memref<32768x1024xf32, #tpu.memory_space<hbm>> -> memref<16x1024xf32, #tpu.memory_space<hbm>>
    %dma_start3A_487 = arith.constant 0 : i32
    %dma_start3A_488 = tpu.memref_slice %arg4[%add3A_484, %dma_start3A_487] : memref<32768x1024xf32, #tpu.memory_space<hbm>> -> memref<16x1024xf32, #tpu.memory_space<hbm>>
    tpu.enqueue_dma source(%arg15 : memref<16x1024xf32, #tpu.memory_space<vmem>>) target(%dma_start3A_488 : memref<16x1024xf32, #tpu.memory_space<hbm>>) target_semaphore(%arg27 : memref<!tpu.dma_semaphore, #tpu.memory_space<semaphore_mem>>)
    %dma_wait3A_489 = arith.constant 0 : i32
    %dma_wait3A_490 = tpu.memref_slice %arg4[%mul3A_2, %dma_wait3A_489] : memref<32768x1024xf32, #tpu.memory_space<hbm>> -> memref<16x1024xf32, #tpu.memory_space<hbm>>
    %dma_wait3A_491 = arith.constant 0 : i32
    %dma_wait3A_492 = tpu.memref_slice %arg4[%mul3A_2, %dma_wait3A_491] : memref<32768x1024xf32, #tpu.memory_space<hbm>> -> memref<16x1024xf32, #tpu.memory_space<hbm>>
    tpu.wait_dma2 semaphore(%arg24 : memref<!tpu.dma_semaphore, #tpu.memory_space<semaphore_mem>>) src(%arg12 : memref<16x1024xf32, #tpu.memory_space<vmem>>) dst(%dma_wait3A_492 : memref<16x1024xf32, #tpu.memory_space<hbm>>)
    %dma_start3A_493 = arith.constant 8 : i32
    %dma_start3A_494 = arith.constant 0 : i32
    %dma_start3A_495 = tpu.memref_slice %arg6[%dma_start3A_493, %dma_start3A_494] : memref<64x16xi32, #tpu.memory_space<vmem>> -> memref<1x16xi32, #tpu.memory_space<vmem>>
    %dma_start3A_496 = tpu.memref_squeeze %dma_start3A_495 : memref<1x16xi32, #tpu.memory_space<vmem>> -> memref<16xi32, #tpu.memory_space<vmem>>
    %dma_start3A_497 = arith.constant 0 : i32
    %dma_start3A_498 = arith.constant 0 : i32
    %dma_start3A_499 = tpu.memref_slice %arg3[%dma_start3A_497, %dma_start3A_498] : memref<8194x1024xf32, #tpu.memory_space<hbm>> -> memref<8194x1024xf32, #tpu.memory_space<hbm>>
    tpu.enqueue_indirect_dma source(%dma_start3A_499 : memref<8194x1024xf32, #tpu.memory_space<hbm>>) target(%arg12 : memref<16x1024xf32, #tpu.memory_space<vmem>>) offsets(%dma_start3A_496 : memref<16xi32, #tpu.memory_space<vmem>>) semaphore(%arg18 : memref<!tpu.dma_semaphore, #tpu.memory_space<semaphore_mem>>)
    %scan3A_500 = arith.constant 0 : i32
    %scan3A_501 = arith.constant 9 : i32
    %scan3A_502 = arith.addi %scan3A_500, %scan3A_501 : i32
    %scan3A_503 = arith.constant 1 : i32
    scf.for %scan3A_592 = %scan3A_500 to %scan3A_502 step %scan3A_503  : i32 {
      %mul3A_593 = arith.constant 6 : i32
      %mul3A_594 = arith.muli %scan3A_592, %mul3A_593 : i32
      %add3A_595 = arith.constant 6 : i32
      %add3A_596 = arith.addi %add3A_595, %mul3A_594 : i32
      %dma_wait3A_597 = arith.constant 0 : i32
      %dma_wait3A_598 = arith.constant 0 : i32
      %dma_wait3A_599 = tpu.memref_slice %arg6[%dma_wait3A_597, %dma_wait3A_598] : memref<64x16xi32, #tpu.memory_space<vmem>> -> memref<1x16xi32, #tpu.memory_space<vmem>>
      %dma_wait3A_600 = tpu.memref_squeeze %dma_wait3A_599 : memref<1x16xi32, #tpu.memory_space<vmem>> -> memref<16xi32, #tpu.memory_space<vmem>>
      %dma_wait3A_601 = arith.constant 0 : i32
      %dma_wait3A_602 = arith.constant 0 : i32
      %dma_wait3A_603 = tpu.memref_slice %arg3[%dma_wait3A_601, %dma_wait3A_602] : memref<8194x1024xf32, #tpu.memory_space<hbm>> -> memref<8194x1024xf32, #tpu.memory_space<hbm>>
      tpu.wait_indirect_dma semaphore(%arg16 : memref<!tpu.dma_semaphore, #tpu.memory_space<semaphore_mem>>) src(%dma_wait3A_603 : memref<8194x1024xf32, #tpu.memory_space<hbm>>) dst(%arg10 : memref<16x1024xf32, #tpu.memory_space<vmem>>)
      %add3A_604 = arith.constant 0 : i32
      %add3A_605 = arith.addi %add3A_596, %add3A_604 : i32
      %mul3A_606 = arith.constant 16 : i32
      %mul3A_607 = arith.muli %add3A_605, %mul3A_606 : i32
      %add3A_608 = arith.addi %mul3A_2, %mul3A_607 : i32
      %dma_start3A_609 = arith.constant 0 : i32
      %dma_start3A_610 = tpu.memref_slice %arg4[%add3A_608, %dma_start3A_609] : memref<32768x1024xf32, #tpu.memory_space<hbm>> -> memref<16x1024xf32, #tpu.memory_space<hbm>>
      %dma_start3A_611 = arith.constant 0 : i32
      %dma_start3A_612 = tpu.memref_slice %arg4[%add3A_608, %dma_start3A_611] : memref<32768x1024xf32, #tpu.memory_space<hbm>> -> memref<16x1024xf32, #tpu.memory_space<hbm>>
      tpu.enqueue_dma source(%arg10 : memref<16x1024xf32, #tpu.memory_space<vmem>>) target(%dma_start3A_612 : memref<16x1024xf32, #tpu.memory_space<hbm>>) target_semaphore(%arg22 : memref<!tpu.dma_semaphore, #tpu.memory_space<semaphore_mem>>)
      %dma_wait3A_613 = arith.constant 0 : i32
      %dma_wait3A_614 = tpu.memref_slice %arg4[%mul3A_2, %dma_wait3A_613] : memref<32768x1024xf32, #tpu.memory_space<hbm>> -> memref<16x1024xf32, #tpu.memory_space<hbm>>
      %dma_wait3A_615 = arith.constant 0 : i32
      %dma_wait3A_616 = tpu.memref_slice %arg4[%mul3A_2, %dma_wait3A_615] : memref<32768x1024xf32, #tpu.memory_space<hbm>> -> memref<16x1024xf32, #tpu.memory_space<hbm>>
      tpu.wait_dma2 semaphore(%arg25 : memref<!tpu.dma_semaphore, #tpu.memory_space<semaphore_mem>>) src(%arg13 : memref<16x1024xf32, #tpu.memory_space<vmem>>) dst(%dma_wait3A_616 : memref<16x1024xf32, #tpu.memory_space<hbm>>)
      %add3A_617 = arith.constant 0 : i32
      %add3A_618 = arith.addi %add3A_596, %add3A_617 : i32
      %add3A_619 = arith.constant 3 : i32
      %add3A_620 = arith.addi %add3A_618, %add3A_619 : i32
      %dma_start3A_621 = arith.constant 0 : i32
      %dma_start3A_622 = tpu.memref_slice %arg6[%add3A_620, %dma_start3A_621] : memref<64x16xi32, #tpu.memory_space<vmem>> -> memref<1x16xi32, #tpu.memory_space<vmem>>
      %dma_start3A_623 = tpu.memref_squeeze %dma_start3A_622 : memref<1x16xi32, #tpu.memory_space<vmem>> -> memref<16xi32, #tpu.memory_space<vmem>>
      %dma_start3A_624 = arith.constant 0 : i32
      %dma_start3A_625 = arith.constant 0 : i32
      %dma_start3A_626 = tpu.memref_slice %arg3[%dma_start3A_624, %dma_start3A_625] : memref<8194x1024xf32, #tpu.memory_space<hbm>> -> memref<8194x1024xf32, #tpu.memory_space<hbm>>
      tpu.enqueue_indirect_dma source(%dma_start3A_626 : memref<8194x1024xf32, #tpu.memory_space<hbm>>) target(%arg13 : memref<16x1024xf32, #tpu.memory_space<vmem>>) offsets(%dma_start3A_623 : memref<16xi32, #tpu.memory_space<vmem>>) semaphore(%arg19 : memref<!tpu.dma_semaphore, #tpu.memory_space<semaphore_mem>>)
      %dma_wait3A_627 = arith.constant 0 : i32
      %dma_wait3A_628 = arith.constant 0 : i32
      %dma_wait3A_629 = tpu.memref_slice %arg6[%dma_wait3A_627, %dma_wait3A_628] : memref<64x16xi32, #tpu.memory_space<vmem>> -> memref<1x16xi32, #tpu.memory_space<vmem>>
      %dma_wait3A_630 = tpu.memref_squeeze %dma_wait3A_629 : memref<1x16xi32, #tpu.memory_space<vmem>> -> memref<16xi32, #tpu.memory_space<vmem>>
      %dma_wait3A_631 = arith.constant 0 : i32
      %dma_wait3A_632 = arith.constant 0 : i32
      %dma_wait3A_633 = tpu.memref_slice %arg3[%dma_wait3A_631, %dma_wait3A_632] : memref<8194x1024xf32, #tpu.memory_space<hbm>> -> memref<8194x1024xf32, #tpu.memory_space<hbm>>
      tpu.wait_indirect_dma semaphore(%arg17 : memref<!tpu.dma_semaphore, #tpu.memory_space<semaphore_mem>>) src(%dma_wait3A_633 : memref<8194x1024xf32, #tpu.memory_space<hbm>>) dst(%arg11 : memref<16x1024xf32, #tpu.memory_space<vmem>>)
      %add3A_634 = arith.constant 1 : i32
      %add3A_635 = arith.addi %add3A_596, %add3A_634 : i32
      %mul3A_636 = arith.constant 16 : i32
      %mul3A_637 = arith.muli %add3A_635, %mul3A_636 : i32
      %add3A_638 = arith.addi %mul3A_2, %mul3A_637 : i32
      %dma_start3A_639 = arith.constant 0 : i32
      %dma_start3A_640 = tpu.memref_slice %arg4[%add3A_638, %dma_start3A_639] : memref<32768x1024xf32, #tpu.memory_space<hbm>> -> memref<16x1024xf32, #tpu.memory_space<hbm>>
      %dma_start3A_641 = arith.constant 0 : i32
      %dma_start3A_642 = tpu.memref_slice %arg4[%add3A_638, %dma_start3A_641] : memref<32768x1024xf32, #tpu.memory_space<hbm>> -> memref<16x1024xf32, #tpu.memory_space<hbm>>
      tpu.enqueue_dma source(%arg11 : memref<16x1024xf32, #tpu.memory_space<vmem>>) target(%dma_start3A_642 : memref<16x1024xf32, #tpu.memory_space<hbm>>) target_semaphore(%arg23 : memref<!tpu.dma_semaphore, #tpu.memory_space<semaphore_mem>>)
      %dma_wait3A_643 = arith.constant 0 : i32
      %dma_wait3A_644 = tpu.memref_slice %arg4[%mul3A_2, %dma_wait3A_643] : memref<32768x1024xf32, #tpu.memory_space<hbm>> -> memref<16x1024xf32, #tpu.memory_space<hbm>>
      %dma_wait3A_645 = arith.constant 0 : i32
      %dma_wait3A_646 = tpu.memref_slice %arg4[%mul3A_2, %dma_wait3A_645] : memref<32768x1024xf32, #tpu.memory_space<hbm>> -> memref<16x1024xf32, #tpu.memory_space<hbm>>
      tpu.wait_dma2 semaphore(%arg26 : memref<!tpu.dma_semaphore, #tpu.memory_space<semaphore_mem>>) src(%arg14 : memref<16x1024xf32, #tpu.memory_space<vmem>>) dst(%dma_wait3A_646 : memref<16x1024xf32, #tpu.memory_space<hbm>>)
      %add3A_647 = arith.constant 1 : i32
      %add3A_648 = arith.addi %add3A_596, %add3A_647 : i32
      %add3A_649 = arith.constant 3 : i32
      %add3A_650 = arith.addi %add3A_648, %add3A_649 : i32
      %dma_start3A_651 = arith.constant 0 : i32
      %dma_start3A_652 = tpu.memref_slice %arg6[%add3A_650, %dma_start3A_651] : memref<64x16xi32, #tpu.memory_space<vmem>> -> memref<1x16xi32, #tpu.memory_space<vmem>>
      %dma_start3A_653 = tpu.memref_squeeze %dma_start3A_652 : memref<1x16xi32, #tpu.memory_space<vmem>> -> memref<16xi32, #tpu.memory_space<vmem>>
      %dma_start3A_654 = arith.constant 0 : i32
      %dma_start3A_655 = arith.constant 0 : i32
      %dma_start3A_656 = tpu.memref_slice %arg3[%dma_start3A_654, %dma_start3A_655] : memref<8194x1024xf32, #tpu.memory_space<hbm>> -> memref<8194x1024xf32, #tpu.memory_space<hbm>>
      tpu.enqueue_indirect_dma source(%dma_start3A_656 : memref<8194x1024xf32, #tpu.memory_space<hbm>>) target(%arg14 : memref<16x1024xf32, #tpu.memory_space<vmem>>) offsets(%dma_start3A_653 : memref<16xi32, #tpu.memory_space<vmem>>) semaphore(%arg20 : memref<!tpu.dma_semaphore, #tpu.memory_space<semaphore_mem>>)
      %dma_wait3A_657 = arith.constant 0 : i32
      %dma_wait3A_658 = arith.constant 0 : i32
      %dma_wait3A_659 = tpu.memref_slice %arg6[%dma_wait3A_657, %dma_wait3A_658] : memref<64x16xi32, #tpu.memory_space<vmem>> -> memref<1x16xi32, #tpu.memory_space<vmem>>
      %dma_wait3A_660 = tpu.memref_squeeze %dma_wait3A_659 : memref<1x16xi32, #tpu.memory_space<vmem>> -> memref<16xi32, #tpu.memory_space<vmem>>
      %dma_wait3A_661 = arith.constant 0 : i32
      %dma_wait3A_662 = arith.constant 0 : i32
      %dma_wait3A_663 = tpu.memref_slice %arg3[%dma_wait3A_661, %dma_wait3A_662] : memref<8194x1024xf32, #tpu.memory_space<hbm>> -> memref<8194x1024xf32, #tpu.memory_space<hbm>>
      tpu.wait_indirect_dma semaphore(%arg18 : memref<!tpu.dma_semaphore, #tpu.memory_space<semaphore_mem>>) src(%dma_wait3A_663 : memref<8194x1024xf32, #tpu.memory_space<hbm>>) dst(%arg12 : memref<16x1024xf32, #tpu.memory_space<vmem>>)
      %add3A_664 = arith.constant 2 : i32
      %add3A_665 = arith.addi %add3A_596, %add3A_664 : i32
      %mul3A_666 = arith.constant 16 : i32
      %mul3A_667 = arith.muli %add3A_665, %mul3A_666 : i32
      %add3A_668 = arith.addi %mul3A_2, %mul3A_667 : i32
      %dma_start3A_669 = arith.constant 0 : i32
      %dma_start3A_670 = tpu.memref_slice %arg4[%add3A_668, %dma_start3A_669] : memref<32768x1024xf32, #tpu.memory_space<hbm>> -> memref<16x1024xf32, #tpu.memory_space<hbm>>
      %dma_start3A_671 = arith.constant 0 : i32
      %dma_start3A_672 = tpu.memref_slice %arg4[%add3A_668, %dma_start3A_671] : memref<32768x1024xf32, #tpu.memory_space<hbm>> -> memref<16x1024xf32, #tpu.memory_space<hbm>>
      tpu.enqueue_dma source(%arg12 : memref<16x1024xf32, #tpu.memory_space<vmem>>) target(%dma_start3A_672 : memref<16x1024xf32, #tpu.memory_space<hbm>>) target_semaphore(%arg24 : memref<!tpu.dma_semaphore, #tpu.memory_space<semaphore_mem>>)
      %dma_wait3A_673 = arith.constant 0 : i32
      %dma_wait3A_674 = tpu.memref_slice %arg4[%mul3A_2, %dma_wait3A_673] : memref<32768x1024xf32, #tpu.memory_space<hbm>> -> memref<16x1024xf32, #tpu.memory_space<hbm>>
      %dma_wait3A_675 = arith.constant 0 : i32
      %dma_wait3A_676 = tpu.memref_slice %arg4[%mul3A_2, %dma_wait3A_675] : memref<32768x1024xf32, #tpu.memory_space<hbm>> -> memref<16x1024xf32, #tpu.memory_space<hbm>>
      tpu.wait_dma2 semaphore(%arg27 : memref<!tpu.dma_semaphore, #tpu.memory_space<semaphore_mem>>) src(%arg15 : memref<16x1024xf32, #tpu.memory_space<vmem>>) dst(%dma_wait3A_676 : memref<16x1024xf32, #tpu.memory_space<hbm>>)
      %add3A_677 = arith.constant 2 : i32
      %add3A_678 = arith.addi %add3A_596, %add3A_677 : i32
      %add3A_679 = arith.constant 3 : i32
      %add3A_680 = arith.addi %add3A_678, %add3A_679 : i32
      %dma_start3A_681 = arith.constant 0 : i32
      %dma_start3A_682 = tpu.memref_slice %arg6[%add3A_680, %dma_start3A_681] : memref<64x16xi32, #tpu.memory_space<vmem>> -> memref<1x16xi32, #tpu.memory_space<vmem>>
      %dma_start3A_683 = tpu.memref_squeeze %dma_start3A_682 : memref<1x16xi32, #tpu.memory_space<vmem>> -> memref<16xi32, #tpu.memory_space<vmem>>
      %dma_start3A_684 = arith.constant 0 : i32
      %dma_start3A_685 = arith.constant 0 : i32
      %dma_start3A_686 = tpu.memref_slice %arg3[%dma_start3A_684, %dma_start3A_685] : memref<8194x1024xf32, #tpu.memory_space<hbm>> -> memref<8194x1024xf32, #tpu.memory_space<hbm>>
      tpu.enqueue_indirect_dma source(%dma_start3A_686 : memref<8194x1024xf32, #tpu.memory_space<hbm>>) target(%arg15 : memref<16x1024xf32, #tpu.memory_space<vmem>>) offsets(%dma_start3A_683 : memref<16xi32, #tpu.memory_space<vmem>>) semaphore(%arg21 : memref<!tpu.dma_semaphore, #tpu.memory_space<semaphore_mem>>)
      %dma_wait3A_687 = arith.constant 0 : i32
      %dma_wait3A_688 = arith.constant 0 : i32
      %dma_wait3A_689 = tpu.memref_slice %arg6[%dma_wait3A_687, %dma_wait3A_688] : memref<64x16xi32, #tpu.memory_space<vmem>> -> memref<1x16xi32, #tpu.memory_space<vmem>>
      %dma_wait3A_690 = tpu.memref_squeeze %dma_wait3A_689 : memref<1x16xi32, #tpu.memory_space<vmem>> -> memref<16xi32, #tpu.memory_space<vmem>>
      %dma_wait3A_691 = arith.constant 0 : i32
      %dma_wait3A_692 = arith.constant 0 : i32
      %dma_wait3A_693 = tpu.memref_slice %arg3[%dma_wait3A_691, %dma_wait3A_692] : memref<8194x1024xf32, #tpu.memory_space<hbm>> -> memref<8194x1024xf32, #tpu.memory_space<hbm>>
      tpu.wait_indirect_dma semaphore(%arg19 : memref<!tpu.dma_semaphore, #tpu.memory_space<semaphore_mem>>) src(%dma_wait3A_693 : memref<8194x1024xf32, #tpu.memory_space<hbm>>) dst(%arg13 : memref<16x1024xf32, #tpu.memory_space<vmem>>)
      %add3A_694 = arith.constant 3 : i32
      %add3A_695 = arith.addi %add3A_596, %add3A_694 : i32
      %mul3A_696 = arith.constant 16 : i32
      %mul3A_697 = arith.muli %add3A_695, %mul3A_696 : i32
      %add3A_698 = arith.addi %mul3A_2, %mul3A_697 : i32
      %dma_start3A_699 = arith.constant 0 : i32
      %dma_start3A_700 = tpu.memref_slice %arg4[%add3A_698, %dma_start3A_699] : memref<32768x1024xf32, #tpu.memory_space<hbm>> -> memref<16x1024xf32, #tpu.memory_space<hbm>>
      %dma_start3A_701 = arith.constant 0 : i32
      %dma_start3A_702 = tpu.memref_slice %arg4[%add3A_698, %dma_start3A_701] : memref<32768x1024xf32, #tpu.memory_space<hbm>> -> memref<16x1024xf32, #tpu.memory_space<hbm>>
      tpu.enqueue_dma source(%arg13 : memref<16x1024xf32, #tpu.memory_space<vmem>>) target(%dma_start3A_702 : memref<16x1024xf32, #tpu.memory_space<hbm>>) target_semaphore(%arg25 : memref<!tpu.dma_semaphore, #tpu.memory_space<semaphore_mem>>)
      %dma_wait3A_703 = arith.constant 0 : i32
      %dma_wait3A_704 = tpu.memref_slice %arg4[%mul3A_2, %dma_wait3A_703] : memref<32768x1024xf32, #tpu.memory_space<hbm>> -> memref<16x1024xf32, #tpu.memory_space<hbm>>
      %dma_wait3A_705 = arith.constant 0 : i32
      %dma_wait3A_706 = tpu.memref_slice %arg4[%mul3A_2, %dma_wait3A_705] : memref<32768x1024xf32, #tpu.memory_space<hbm>> -> memref<16x1024xf32, #tpu.memory_space<hbm>>
      tpu.wait_dma2 semaphore(%arg22 : memref<!tpu.dma_semaphore, #tpu.memory_space<semaphore_mem>>) src(%arg10 : memref<16x1024xf32, #tpu.memory_space<vmem>>) dst(%dma_wait3A_706 : memref<16x1024xf32, #tpu.memory_space<hbm>>)
      %add3A_707 = arith.constant 3 : i32
      %add3A_708 = arith.addi %add3A_596, %add3A_707 : i32
      %add3A_709 = arith.constant 3 : i32
      %add3A_710 = arith.addi %add3A_708, %add3A_709 : i32
      %dma_start3A_711 = arith.constant 0 : i32
      %dma_start3A_712 = tpu.memref_slice %arg6[%add3A_710, %dma_start3A_711] : memref<64x16xi32, #tpu.memory_space<vmem>> -> memref<1x16xi32, #tpu.memory_space<vmem>>
      %dma_start3A_713 = tpu.memref_squeeze %dma_start3A_712 : memref<1x16xi32, #tpu.memory_space<vmem>> -> memref<16xi32, #tpu.memory_space<vmem>>
      %dma_start3A_714 = arith.constant 0 : i32
      %dma_start3A_715 = arith.constant 0 : i32
      %dma_start3A_716 = tpu.memref_slice %arg3[%dma_start3A_714, %dma_start3A_715] : memref<8194x1024xf32, #tpu.memory_space<hbm>> -> memref<8194x1024xf32, #tpu.memory_space<hbm>>
      tpu.enqueue_indirect_dma source(%dma_start3A_716 : memref<8194x1024xf32, #tpu.memory_space<hbm>>) target(%arg10 : memref<16x1024xf32, #tpu.memory_space<vmem>>) offsets(%dma_start3A_713 : memref<16xi32, #tpu.memory_space<vmem>>) semaphore(%arg16 : memref<!tpu.dma_semaphore, #tpu.memory_space<semaphore_mem>>)
      %dma_wait3A_717 = arith.constant 0 : i32
      %dma_wait3A_718 = arith.constant 0 : i32
      %dma_wait3A_719 = tpu.memref_slice %arg6[%dma_wait3A_717, %dma_wait3A_718] : memref<64x16xi32, #tpu.memory_space<vmem>> -> memref<1x16xi32, #tpu.memory_space<vmem>>
      %dma_wait3A_720 = tpu.memref_squeeze %dma_wait3A_719 : memref<1x16xi32, #tpu.memory_space<vmem>> -> memref<16xi32, #tpu.memory_space<vmem>>
      %dma_wait3A_721 = arith.constant 0 : i32
      %dma_wait3A_722 = arith.constant 0 : i32
      %dma_wait3A_723 = tpu.memref_slice %arg3[%dma_wait3A_721, %dma_wait3A_722] : memref<8194x1024xf32, #tpu.memory_space<hbm>> -> memref<8194x1024xf32, #tpu.memory_space<hbm>>
      tpu.wait_indirect_dma semaphore(%arg20 : memref<!tpu.dma_semaphore, #tpu.memory_space<semaphore_mem>>) src(%dma_wait3A_723 : memref<8194x1024xf32, #tpu.memory_space<hbm>>) dst(%arg14 : memref<16x1024xf32, #tpu.memory_space<vmem>>)
      %add3A_724 = arith.constant 4 : i32
      %add3A_725 = arith.addi %add3A_596, %add3A_724 : i32
      %mul3A_726 = arith.constant 16 : i32
      %mul3A_727 = arith.muli %add3A_725, %mul3A_726 : i32
      %add3A_728 = arith.addi %mul3A_2, %mul3A_727 : i32
      %dma_start3A_729 = arith.constant 0 : i32
      %dma_start3A_730 = tpu.memref_slice %arg4[%add3A_728, %dma_start3A_729] : memref<32768x1024xf32, #tpu.memory_space<hbm>> -> memref<16x1024xf32, #tpu.memory_space<hbm>>
      %dma_start3A_731 = arith.constant 0 : i32
      %dma_start3A_732 = tpu.memref_slice %arg4[%add3A_728, %dma_start3A_731] : memref<32768x1024xf32, #tpu.memory_space<hbm>> -> memref<16x1024xf32, #tpu.memory_space<hbm>>
      tpu.enqueue_dma source(%arg14 : memref<16x1024xf32, #tpu.memory_space<vmem>>) target(%dma_start3A_732 : memref<16x1024xf32, #tpu.memory_space<hbm>>) target_semaphore(%arg26 : memref<!tpu.dma_semaphore, #tpu.memory_space<semaphore_mem>>)
      %dma_wait3A_733 = arith.constant 0 : i32
      %dma_wait3A_734 = tpu.memref_slice %arg4[%mul3A_2, %dma_wait3A_733] : memref<32768x1024xf32, #tpu.memory_space<hbm>> -> memref<16x1024xf32, #tpu.memory_space<hbm>>
      %dma_wait3A_735 = arith.constant 0 : i32
      %dma_wait3A_736 = tpu.memref_slice %arg4[%mul3A_2, %dma_wait3A_735] : memref<32768x1024xf32, #tpu.memory_space<hbm>> -> memref<16x1024xf32, #tpu.memory_space<hbm>>
      tpu.wait_dma2 semaphore(%arg23 : memref<!tpu.dma_semaphore, #tpu.memory_space<semaphore_mem>>) src(%arg11 : memref<16x1024xf32, #tpu.memory_space<vmem>>) dst(%dma_wait3A_736 : memref<16x1024xf32, #tpu.memory_space<hbm>>)
      %add3A_737 = arith.constant 4 : i32
      %add3A_738 = arith.addi %add3A_596, %add3A_737 : i32
      %add3A_739 = arith.constant 3 : i32
      %add3A_740 = arith.addi %add3A_738, %add3A_739 : i32
      %dma_start3A_741 = arith.constant 0 : i32
      %dma_start3A_742 = tpu.memref_slice %arg6[%add3A_740, %dma_start3A_741] : memref<64x16xi32, #tpu.memory_space<vmem>> -> memref<1x16xi32, #tpu.memory_space<vmem>>
      %dma_start3A_743 = tpu.memref_squeeze %dma_start3A_742 : memref<1x16xi32, #tpu.memory_space<vmem>> -> memref<16xi32, #tpu.memory_space<vmem>>
      %dma_start3A_744 = arith.constant 0 : i32
      %dma_start3A_745 = arith.constant 0 : i32
      %dma_start3A_746 = tpu.memref_slice %arg3[%dma_start3A_744, %dma_start3A_745] : memref<8194x1024xf32, #tpu.memory_space<hbm>> -> memref<8194x1024xf32, #tpu.memory_space<hbm>>
      tpu.enqueue_indirect_dma source(%dma_start3A_746 : memref<8194x1024xf32, #tpu.memory_space<hbm>>) target(%arg11 : memref<16x1024xf32, #tpu.memory_space<vmem>>) offsets(%dma_start3A_743 : memref<16xi32, #tpu.memory_space<vmem>>) semaphore(%arg17 : memref<!tpu.dma_semaphore, #tpu.memory_space<semaphore_mem>>)
      %dma_wait3A_747 = arith.constant 0 : i32
      %dma_wait3A_748 = arith.constant 0 : i32
      %dma_wait3A_749 = tpu.memref_slice %arg6[%dma_wait3A_747, %dma_wait3A_748] : memref<64x16xi32, #tpu.memory_space<vmem>> -> memref<1x16xi32, #tpu.memory_space<vmem>>
      %dma_wait3A_750 = tpu.memref_squeeze %dma_wait3A_749 : memref<1x16xi32, #tpu.memory_space<vmem>> -> memref<16xi32, #tpu.memory_space<vmem>>
      %dma_wait3A_751 = arith.constant 0 : i32
      %dma_wait3A_752 = arith.constant 0 : i32
      %dma_wait3A_753 = tpu.memref_slice %arg3[%dma_wait3A_751, %dma_wait3A_752] : memref<8194x1024xf32, #tpu.memory_space<hbm>> -> memref<8194x1024xf32, #tpu.memory_space<hbm>>
      tpu.wait_indirect_dma semaphore(%arg21 : memref<!tpu.dma_semaphore, #tpu.memory_space<semaphore_mem>>) src(%dma_wait3A_753 : memref<8194x1024xf32, #tpu.memory_space<hbm>>) dst(%arg15 : memref<16x1024xf32, #tpu.memory_space<vmem>>)
      %add3A_754 = arith.constant 5 : i32
      %add3A_755 = arith.addi %add3A_596, %add3A_754 : i32
      %mul3A_756 = arith.constant 16 : i32
      %mul3A_757 = arith.muli %add3A_755, %mul3A_756 : i32
      %add3A_758 = arith.addi %mul3A_2, %mul3A_757 : i32
      %dma_start3A_759 = arith.constant 0 : i32
      %dma_start3A_760 = tpu.memref_slice %arg4[%add3A_758, %dma_start3A_759] : memref<32768x1024xf32, #tpu.memory_space<hbm>> -> memref<16x1024xf32, #tpu.memory_space<hbm>>
      %dma_start3A_761 = arith.constant 0 : i32
      %dma_start3A_762 = tpu.memref_slice %arg4[%add3A_758, %dma_start3A_761] : memref<32768x1024xf32, #tpu.memory_space<hbm>> -> memref<16x1024xf32, #tpu.memory_space<hbm>>
      tpu.enqueue_dma source(%arg15 : memref<16x1024xf32, #tpu.memory_space<vmem>>) target(%dma_start3A_762 : memref<16x1024xf32, #tpu.memory_space<hbm>>) target_semaphore(%arg27 : memref<!tpu.dma_semaphore, #tpu.memory_space<semaphore_mem>>)
      %dma_wait3A_763 = arith.constant 0 : i32
      %dma_wait3A_764 = tpu.memref_slice %arg4[%mul3A_2, %dma_wait3A_763] : memref<32768x1024xf32, #tpu.memory_space<hbm>> -> memref<16x1024xf32, #tpu.memory_space<hbm>>
      %dma_wait3A_765 = arith.constant 0 : i32
      %dma_wait3A_766 = tpu.memref_slice %arg4[%mul3A_2, %dma_wait3A_765] : memref<32768x1024xf32, #tpu.memory_space<hbm>> -> memref<16x1024xf32, #tpu.memory_space<hbm>>
      tpu.wait_dma2 semaphore(%arg24 : memref<!tpu.dma_semaphore, #tpu.memory_space<semaphore_mem>>) src(%arg12 : memref<16x1024xf32, #tpu.memory_space<vmem>>) dst(%dma_wait3A_766 : memref<16x1024xf32, #tpu.memory_space<hbm>>)
      %add3A_767 = arith.constant 5 : i32
      %add3A_768 = arith.addi %add3A_596, %add3A_767 : i32
      %add3A_769 = arith.constant 3 : i32
      %add3A_770 = arith.addi %add3A_768, %add3A_769 : i32
      %dma_start3A_771 = arith.constant 0 : i32
      %dma_start3A_772 = tpu.memref_slice %arg6[%add3A_770, %dma_start3A_771] : memref<64x16xi32, #tpu.memory_space<vmem>> -> memref<1x16xi32, #tpu.memory_space<vmem>>
      %dma_start3A_773 = tpu.memref_squeeze %dma_start3A_772 : memref<1x16xi32, #tpu.memory_space<vmem>> -> memref<16xi32, #tpu.memory_space<vmem>>
      %dma_start3A_774 = arith.constant 0 : i32
      %dma_start3A_775 = arith.constant 0 : i32
      %dma_start3A_776 = tpu.memref_slice %arg3[%dma_start3A_774, %dma_start3A_775] : memref<8194x1024xf32, #tpu.memory_space<hbm>> -> memref<8194x1024xf32, #tpu.memory_space<hbm>>
      tpu.enqueue_indirect_dma source(%dma_start3A_776 : memref<8194x1024xf32, #tpu.memory_space<hbm>>) target(%arg12 : memref<16x1024xf32, #tpu.memory_space<vmem>>) offsets(%dma_start3A_773 : memref<16xi32, #tpu.memory_space<vmem>>) semaphore(%arg18 : memref<!tpu.dma_semaphore, #tpu.memory_space<semaphore_mem>>)
    }
    %scan3A_504 = arith.constant 9 : i32
    %dma_wait3A_505 = arith.constant 0 : i32
    %dma_wait3A_506 = arith.constant 0 : i32
    %dma_wait3A_507 = tpu.memref_slice %arg6[%dma_wait3A_505, %dma_wait3A_506] : memref<64x16xi32, #tpu.memory_space<vmem>> -> memref<1x16xi32, #tpu.memory_space<vmem>>
    %dma_wait3A_508 = tpu.memref_squeeze %dma_wait3A_507 : memref<1x16xi32, #tpu.memory_space<vmem>> -> memref<16xi32, #tpu.memory_space<vmem>>
    %dma_wait3A_509 = arith.constant 0 : i32
    %dma_wait3A_510 = arith.constant 0 : i32
    %dma_wait3A_511 = tpu.memref_slice %arg3[%dma_wait3A_509, %dma_wait3A_510] : memref<8194x1024xf32, #tpu.memory_space<hbm>> -> memref<8194x1024xf32, #tpu.memory_space<hbm>>
    tpu.wait_indirect_dma semaphore(%arg16 : memref<!tpu.dma_semaphore, #tpu.memory_space<semaphore_mem>>) src(%dma_wait3A_511 : memref<8194x1024xf32, #tpu.memory_space<hbm>>) dst(%arg10 : memref<16x1024xf32, #tpu.memory_space<vmem>>)
    %add3A_512 = arith.constant 960 : i32
    %add3A_513 = arith.addi %mul3A_2, %add3A_512 : i32
    %dma_start3A_514 = arith.constant 0 : i32
    %dma_start3A_515 = tpu.memref_slice %arg4[%add3A_513, %dma_start3A_514] : memref<32768x1024xf32, #tpu.memory_space<hbm>> -> memref<16x1024xf32, #tpu.memory_space<hbm>>
    %dma_start3A_516 = arith.constant 0 : i32
    %dma_start3A_517 = tpu.memref_slice %arg4[%add3A_513, %dma_start3A_516] : memref<32768x1024xf32, #tpu.memory_space<hbm>> -> memref<16x1024xf32, #tpu.memory_space<hbm>>
    tpu.enqueue_dma source(%arg10 : memref<16x1024xf32, #tpu.memory_space<vmem>>) target(%dma_start3A_517 : memref<16x1024xf32, #tpu.memory_space<hbm>>) target_semaphore(%arg22 : memref<!tpu.dma_semaphore, #tpu.memory_space<semaphore_mem>>)
    %dma_wait3A_518 = arith.constant 0 : i32
    %dma_wait3A_519 = tpu.memref_slice %arg4[%mul3A_2, %dma_wait3A_518] : memref<32768x1024xf32, #tpu.memory_space<hbm>> -> memref<16x1024xf32, #tpu.memory_space<hbm>>
    %dma_wait3A_520 = arith.constant 0 : i32
    %dma_wait3A_521 = tpu.memref_slice %arg4[%mul3A_2, %dma_wait3A_520] : memref<32768x1024xf32, #tpu.memory_space<hbm>> -> memref<16x1024xf32, #tpu.memory_space<hbm>>
    tpu.wait_dma2 semaphore(%arg25 : memref<!tpu.dma_semaphore, #tpu.memory_space<semaphore_mem>>) src(%arg13 : memref<16x1024xf32, #tpu.memory_space<vmem>>) dst(%dma_wait3A_521 : memref<16x1024xf32, #tpu.memory_space<hbm>>)
    %dma_start3A_522 = arith.constant 63 : i32
    %dma_start3A_523 = arith.constant 0 : i32
    %dma_start3A_524 = tpu.memref_slice %arg6[%dma_start3A_522, %dma_start3A_523] : memref<64x16xi32, #tpu.memory_space<vmem>> -> memref<1x16xi32, #tpu.memory_space<vmem>>
    %dma_start3A_525 = tpu.memref_squeeze %dma_start3A_524 : memref<1x16xi32, #tpu.memory_space<vmem>> -> memref<16xi32, #tpu.memory_space<vmem>>
    %dma_start3A_526 = arith.constant 0 : i32
    %dma_start3A_527 = arith.constant 0 : i32
    %dma_start3A_528 = tpu.memref_slice %arg3[%dma_start3A_526, %dma_start3A_527] : memref<8194x1024xf32, #tpu.memory_space<hbm>> -> memref<8194x1024xf32, #tpu.memory_space<hbm>>
    tpu.enqueue_indirect_dma source(%dma_start3A_528 : memref<8194x1024xf32, #tpu.memory_space<hbm>>) target(%arg13 : memref<16x1024xf32, #tpu.memory_space<vmem>>) offsets(%dma_start3A_525 : memref<16xi32, #tpu.memory_space<vmem>>) semaphore(%arg19 : memref<!tpu.dma_semaphore, #tpu.memory_space<semaphore_mem>>)
    %dma_wait3A_529 = arith.constant 0 : i32
    %dma_wait3A_530 = arith.constant 0 : i32
    %dma_wait3A_531 = tpu.memref_slice %arg6[%dma_wait3A_529, %dma_wait3A_530] : memref<64x16xi32, #tpu.memory_space<vmem>> -> memref<1x16xi32, #tpu.memory_space<vmem>>
    %dma_wait3A_532 = tpu.memref_squeeze %dma_wait3A_531 : memref<1x16xi32, #tpu.memory_space<vmem>> -> memref<16xi32, #tpu.memory_space<vmem>>
    %dma_wait3A_533 = arith.constant 0 : i32
    %dma_wait3A_534 = arith.constant 0 : i32
    %dma_wait3A_535 = tpu.memref_slice %arg3[%dma_wait3A_533, %dma_wait3A_534] : memref<8194x1024xf32, #tpu.memory_space<hbm>> -> memref<8194x1024xf32, #tpu.memory_space<hbm>>
    tpu.wait_indirect_dma semaphore(%arg17 : memref<!tpu.dma_semaphore, #tpu.memory_space<semaphore_mem>>) src(%dma_wait3A_535 : memref<8194x1024xf32, #tpu.memory_space<hbm>>) dst(%arg11 : memref<16x1024xf32, #tpu.memory_space<vmem>>)
    %add3A_536 = arith.constant 976 : i32
    %add3A_537 = arith.addi %mul3A_2, %add3A_536 : i32
    %dma_start3A_538 = arith.constant 0 : i32
    %dma_start3A_539 = tpu.memref_slice %arg4[%add3A_537, %dma_start3A_538] : memref<32768x1024xf32, #tpu.memory_space<hbm>> -> memref<16x1024xf32, #tpu.memory_space<hbm>>
    %dma_start3A_540 = arith.constant 0 : i32
    %dma_start3A_541 = tpu.memref_slice %arg4[%add3A_537, %dma_start3A_540] : memref<32768x1024xf32, #tpu.memory_space<hbm>> -> memref<16x1024xf32, #tpu.memory_space<hbm>>
    tpu.enqueue_dma source(%arg11 : memref<16x1024xf32, #tpu.memory_space<vmem>>) target(%dma_start3A_541 : memref<16x1024xf32, #tpu.memory_space<hbm>>) target_semaphore(%arg23 : memref<!tpu.dma_semaphore, #tpu.memory_space<semaphore_mem>>)
    %dma_wait3A_542 = arith.constant 0 : i32
    %dma_wait3A_543 = arith.constant 0 : i32
    %dma_wait3A_544 = tpu.memref_slice %arg6[%dma_wait3A_542, %dma_wait3A_543] : memref<64x16xi32, #tpu.memory_space<vmem>> -> memref<1x16xi32, #tpu.memory_space<vmem>>
    %dma_wait3A_545 = tpu.memref_squeeze %dma_wait3A_544 : memref<1x16xi32, #tpu.memory_space<vmem>> -> memref<16xi32, #tpu.memory_space<vmem>>
    %dma_wait3A_546 = arith.constant 0 : i32
    %dma_wait3A_547 = arith.constant 0 : i32
    %dma_wait3A_548 = tpu.memref_slice %arg3[%dma_wait3A_546, %dma_wait3A_547] : memref<8194x1024xf32, #tpu.memory_space<hbm>> -> memref<8194x1024xf32, #tpu.memory_space<hbm>>
    tpu.wait_indirect_dma semaphore(%arg18 : memref<!tpu.dma_semaphore, #tpu.memory_space<semaphore_mem>>) src(%dma_wait3A_548 : memref<8194x1024xf32, #tpu.memory_space<hbm>>) dst(%arg12 : memref<16x1024xf32, #tpu.memory_space<vmem>>)
    %add3A_549 = arith.constant 992 : i32
    %add3A_550 = arith.addi %mul3A_2, %add3A_549 : i32
    %dma_start3A_551 = arith.constant 0 : i32
    %dma_start3A_552 = tpu.memref_slice %arg4[%add3A_550, %dma_start3A_551] : memref<32768x1024xf32, #tpu.memory_space<hbm>> -> memref<16x1024xf32, #tpu.memory_space<hbm>>
    %dma_start3A_553 = arith.constant 0 : i32
    %dma_start3A_554 = tpu.memref_slice %arg4[%add3A_550, %dma_start3A_553] : memref<32768x1024xf32, #tpu.memory_space<hbm>> -> memref<16x1024xf32, #tpu.memory_space<hbm>>
    tpu.enqueue_dma source(%arg12 : memref<16x1024xf32, #tpu.memory_space<vmem>>) target(%dma_start3A_554 : memref<16x1024xf32, #tpu.memory_space<hbm>>) target_semaphore(%arg24 : memref<!tpu.dma_semaphore, #tpu.memory_space<semaphore_mem>>)
    %dma_wait3A_555 = arith.constant 0 : i32
    %dma_wait3A_556 = arith.constant 0 : i32
    %dma_wait3A_557 = tpu.memref_slice %arg6[%dma_wait3A_555, %dma_wait3A_556] : memref<64x16xi32, #tpu.memory_space<vmem>> -> memref<1x16xi32, #tpu.memory_space<vmem>>
    %dma_wait3A_558 = tpu.memref_squeeze %dma_wait3A_557 : memref<1x16xi32, #tpu.memory_space<vmem>> -> memref<16xi32, #tpu.memory_space<vmem>>
    %dma_wait3A_559 = arith.constant 0 : i32
    %dma_wait3A_560 = arith.constant 0 : i32
    %dma_wait3A_561 = tpu.memref_slice %arg3[%dma_wait3A_559, %dma_wait3A_560] : memref<8194x1024xf32, #tpu.memory_space<hbm>> -> memref<8194x1024xf32, #tpu.memory_space<hbm>>
    tpu.wait_indirect_dma semaphore(%arg19 : memref<!tpu.dma_semaphore, #tpu.memory_space<semaphore_mem>>) src(%dma_wait3A_561 : memref<8194x1024xf32, #tpu.memory_space<hbm>>) dst(%arg13 : memref<16x1024xf32, #tpu.memory_space<vmem>>)
    %add3A_562 = arith.constant 1008 : i32
    %add3A_563 = arith.addi %mul3A_2, %add3A_562 : i32
    %dma_start3A_564 = arith.constant 0 : i32
    %dma_start3A_565 = tpu.memref_slice %arg4[%add3A_563, %dma_start3A_564] : memref<32768x1024xf32, #tpu.memory_space<hbm>> -> memref<16x1024xf32, #tpu.memory_space<hbm>>
    %dma_start3A_566 = arith.constant 0 : i32
    %dma_start3A_567 = tpu.memref_slice %arg4[%add3A_563, %dma_start3A_566] : memref<32768x1024xf32, #tpu.memory_space<hbm>> -> memref<16x1024xf32, #tpu.memory_space<hbm>>
    tpu.enqueue_dma source(%arg13 : memref<16x1024xf32, #tpu.memory_space<vmem>>) target(%dma_start3A_567 : memref<16x1024xf32, #tpu.memory_space<hbm>>) target_semaphore(%arg25 : memref<!tpu.dma_semaphore, #tpu.memory_space<semaphore_mem>>)
    %dma_wait3A_568 = arith.constant 0 : i32
    %dma_wait3A_569 = tpu.memref_slice %arg4[%mul3A_2, %dma_wait3A_568] : memref<32768x1024xf32, #tpu.memory_space<hbm>> -> memref<16x1024xf32, #tpu.memory_space<hbm>>
    %dma_wait3A_570 = arith.constant 0 : i32
    %dma_wait3A_571 = tpu.memref_slice %arg4[%mul3A_2, %dma_wait3A_570] : memref<32768x1024xf32, #tpu.memory_space<hbm>> -> memref<16x1024xf32, #tpu.memory_space<hbm>>
    tpu.wait_dma2 semaphore(%arg26 : memref<!tpu.dma_semaphore, #tpu.memory_space<semaphore_mem>>) src(%arg14 : memref<16x1024xf32, #tpu.memory_space<vmem>>) dst(%dma_wait3A_571 : memref<16x1024xf32, #tpu.memory_space<hbm>>)
    %dma_wait3A_572 = arith.constant 0 : i32
    %dma_wait3A_573 = tpu.memref_slice %arg4[%mul3A_2, %dma_wait3A_572] : memref<32768x1024xf32, #tpu.memory_space<hbm>> -> memref<16x1024xf32, #tpu.memory_space<hbm>>
    %dma_wait3A_574 = arith.constant 0 : i32
    %dma_wait3A_575 = tpu.memref_slice %arg4[%mul3A_2, %dma_wait3A_574] : memref<32768x1024xf32, #tpu.memory_space<hbm>> -> memref<16x1024xf32, #tpu.memory_space<hbm>>
    tpu.wait_dma2 semaphore(%arg27 : memref<!tpu.dma_semaphore, #tpu.memory_space<semaphore_mem>>) src(%arg15 : memref<16x1024xf32, #tpu.memory_space<vmem>>) dst(%dma_wait3A_575 : memref<16x1024xf32, #tpu.memory_space<hbm>>)
    %dma_wait3A_576 = arith.constant 0 : i32
    %dma_wait3A_577 = tpu.memref_slice %arg4[%mul3A_2, %dma_wait3A_576] : memref<32768x1024xf32, #tpu.memory_space<hbm>> -> memref<16x1024xf32, #tpu.memory_space<hbm>>
    %dma_wait3A_578 = arith.constant 0 : i32
    %dma_wait3A_579 = tpu.memref_slice %arg4[%mul3A_2, %dma_wait3A_578] : memref<32768x1024xf32, #tpu.memory_space<hbm>> -> memref<16x1024xf32, #tpu.memory_space<hbm>>
    tpu.wait_dma2 semaphore(%arg22 : memref<!tpu.dma_semaphore, #tpu.memory_space<semaphore_mem>>) src(%arg10 : memref<16x1024xf32, #tpu.memory_space<vmem>>) dst(%dma_wait3A_579 : memref<16x1024xf32, #tpu.memory_space<hbm>>)
    %dma_wait3A_580 = arith.constant 0 : i32
    %dma_wait3A_581 = tpu.memref_slice %arg4[%mul3A_2, %dma_wait3A_580] : memref<32768x1024xf32, #tpu.memory_space<hbm>> -> memref<16x1024xf32, #tpu.memory_space<hbm>>
    %dma_wait3A_582 = arith.constant 0 : i32
    %dma_wait3A_583 = tpu.memref_slice %arg4[%mul3A_2, %dma_wait3A_582] : memref<32768x1024xf32, #tpu.memory_space<hbm>> -> memref<16x1024xf32, #tpu.memory_space<hbm>>
    tpu.wait_dma2 semaphore(%arg23 : memref<!tpu.dma_semaphore, #tpu.memory_space<semaphore_mem>>) src(%arg11 : memref<16x1024xf32, #tpu.memory_space<vmem>>) dst(%dma_wait3A_583 : memref<16x1024xf32, #tpu.memory_space<hbm>>)
    %dma_wait3A_584 = arith.constant 0 : i32
    %dma_wait3A_585 = tpu.memref_slice %arg4[%mul3A_2, %dma_wait3A_584] : memref<32768x1024xf32, #tpu.memory_space<hbm>> -> memref<16x1024xf32, #tpu.memory_space<hbm>>
    %dma_wait3A_586 = arith.constant 0 : i32
    %dma_wait3A_587 = tpu.memref_slice %arg4[%mul3A_2, %dma_wait3A_586] : memref<32768x1024xf32, #tpu.memory_space<hbm>> -> memref<16x1024xf32, #tpu.memory_space<hbm>>
    tpu.wait_dma2 semaphore(%arg24 : memref<!tpu.dma_semaphore, #tpu.memory_space<semaphore_mem>>) src(%arg12 : memref<16x1024xf32, #tpu.memory_space<vmem>>) dst(%dma_wait3A_587 : memref<16x1024xf32, #tpu.memory_space<hbm>>)
    %dma_wait3A_588 = arith.constant 0 : i32
    %dma_wait3A_589 = tpu.memref_slice %arg4[%mul3A_2, %dma_wait3A_588] : memref<32768x1024xf32, #tpu.memory_space<hbm>> -> memref<16x1024xf32, #tpu.memory_space<hbm>>
    %dma_wait3A_590 = arith.constant 0 : i32
    %dma_wait3A_591 = tpu.memref_slice %arg4[%mul3A_2, %dma_wait3A_590] : memref<32768x1024xf32, #tpu.memory_space<hbm>> -> memref<16x1024xf32, #tpu.memory_space<hbm>>
    tpu.wait_dma2 semaphore(%arg25 : memref<!tpu.dma_semaphore, #tpu.memory_space<semaphore_mem>>) src(%arg13 : memref<16x1024xf32, #tpu.memory_space<vmem>>) dst(%dma_wait3A_591 : memref<16x1024xf32, #tpu.memory_space<hbm>>)
    return
  }
}

</mosaic_0001>

<sc_bundles>
// kernel: kernel.3.cloned.1.call-start
scs
__scs_entry_jumppad:
0x0: {  	(pc) =	sbr.rel $0x88, $3  }
0x1: {  	(tag) =	ssettag $0x0;
	lr =	simm.s32 $0x1  }
0x2: {  	[smem:$0x3F9F] =	sst lr;
	_ =	strace $0xD0000000  }
0x3: {  	_ = 	snop  }
0x4: {  	_ = 	snop  }
0x5: {  	_ = 	snop  }
0x6: {  	_ = 	snop  }
0x7: {  	_ = 	snop  }
__scs_overlays_trampoline_lowered:
0x8: {  	[smem:$0x3FAE] =	sst s0  }
0x9: {  	[smem:$0x3FAF] =	sst s1  }
0xa: {  	[smem:$0x3FB0] =	sst s2  }
0xb: {  	[smem:$0x3FB1] =	sst s3  }
0xc: {  	[smem:$0x3FB2] =	sst s4  }
0xd: {  	[smem:$0x3FB3] =	sst s5  }
0xe: {  	[smem:$0x3FB4] =	sst s6  }
0xf: {  	[smem:$0x3FB5] =	sst s7  }
0x10: {  	[smem:$0x3FB6] =	sst s8  }
0x11: {  	[smem:$0x3FB7] =	sst s9;
	s0 =	simm.s32 @!p0 $0x0  }
0x12: {  	s1 =	sld [smem:$0x3F9D];
	s0 =	simm.s32 @p0 $0x1  }
0x13: {  	[smem:$0x3FB8] =	sst s0;
	s0 =	simm.s32 @!p1 $0x0  }
0x14: {  	s2 =	sld [smem:$0x3F9C];
	s0 =	simm.s32 @p1 $0x1  }
0x15: {  	[smem:$0x3FB9] =	sst s0;
	s0 =	simm.s32 @!p2 $0x0  }
0x16: {  	s3 =	sld [smem:$0x3FDB];
	s0 =	simm.s32 @p2 $0x1  }
0x17: {  	s4 =	simm.s32 $0x1BF5;
	[smem:$0x3FBB] =	sst s0  }
0x18: {  	s0 =	sld [smem:$0x3F9E];
	_ =	swait.ge [sflag:s4], $0x0  }
0x19: {  	s7 =	sld [smem:$0x3F9F]  }
0x1a: {  	s8 =	sadd.s32 $0xFFFFE003, lr  }
0x1b: {  	s9 =	sadd.s32 $0xFFFFFEF7, lr;
	s5 =	simm.s32 $0xFFFFFFFF;
	p2 =	slt.u32 s8, $0xFFFFF086  }
0x1c: {  	p1 =	slt.u32 s9, $0xF7A;
	s5 =	simm.s32 @!p2 $0x0  }
0x1d: {  	s5 =	simm.s32 @p1 $0x1;
	p0 =	seq.s32 s7, s2  }
0x1e: {  	s7 =	smul.u32 @!p0 $0xF7A, s2;
	p2 =	seq.s32 @!p0 s5, $0x0  }
0x1f: {  	s9 =	smul.u32 $0xF7A, s1;
	s8 =	simm.s32 @!p0 $0x1BF5;
	p2 =	por !p2, p0  }
0x20: {  	[sflag:s8] =	ssyncset.s32 @!p0 $0xFFFFF086;
	s6 =	sadd.s32 @!p0 s3, s7;
	s7 =	simm.s32 @!p0 $0x108  }
0x21: {  	s3 =	sadd.s32 s3, s9;
	s6 =	sadd.s32 @!p0 $0x88, s6;
	s7 =	simm.s32 @p2 $0x1082  }
0x22: {  	[simem:s7], [sflag:s8] =	dma.local @!p0 [hbm:s6], $0xF7A  }
0x23: {  	s9 =	sor.u32 $0xD0000000, s2;
	s6 =	simm.s32 $0x108;
	_ =	swait.ge @!p0 [sflag:s8], $0x0  }
0x24: {  	s3 =	sadd.s32 $0x88, s3;
	s6 =	simm.s32 @!p1 $0x1082;
	[sflag:s4] =	ssyncset.s32 $0xFFFFF086  }
0x25: {  	[simem:s6], [sflag:s4] =	dma.local [hbm:s3], $0xF7A  }
0x26: {  	[smem:$0x3F9F] =	sst s1;
	(tag) =	ssettag s2;
	_ =	strace s9  }
0x27: {  	s1 =	sld [smem:$0x3FAF]  }
0x28: {  	s2 =	sld [smem:$0x3FB0]  }
0x29: {  	s4 =	sld [smem:$0x3FB2]  }
0x2a: {  	p0 =	seq.s32 s5, $0x0;
	s5 =	sld [smem:$0x3FB3]  }
0x2b: {  	s6 =	sld [smem:$0x3FB4]  }
0x2c: {  	s7 =	sld [smem:$0x3FB5]  }
0x2d: {  	s3 =	simm.s32 $0x108;
	s8 =	sld [smem:$0x3FB6]  }
0x2e: {  	s3 =	simm.s32 @!p0 $0x1082;
	s9 =	sld [smem:$0x3FB7]  }
0x2f: {  	lr =	sadd.s32 s0, s3;
	s0 =	sld [smem:$0x3FAE]  }
0x30: {  	s3 =	sld [smem:$0x3FB1]  }
0x31: {  	[smem:$0x3FBA] =	sst s10  }
0x32: {  	s10 =	sld [smem:$0x3FB8];
	_ =	sdelay $0x3  }
0x33: {  	p0 =	seq.s32 s10, $0x1;
	s10 =	sld [smem:$0x3FBA];
	_ =	sdelay $0x3  }
0x34: {  	[smem:$0x3FBA] =	sst s10  }
0x35: {  	s10 =	sld [smem:$0x3FB9];
	_ =	sdelay $0x3  }
0x36: {  	p1 =	seq.s32 s10, $0x1;
	s10 =	sld [smem:$0x3FBA];
	_ =	sdelay $0x3  }
0x37: {  	[smem:$0x3FBA] =	sst s10  }
0x38: {  	s10 =	sld [smem:$0x3FBB]  }
0x39: {  	_ = 	snop;
	(pc) =	sbr.ind lr, $3  }
0x3a: {  	_ = 	snop  }
0x3b: {  	_ = 	snop  }
0x3c: {  	p2 =	seq.s32 s10, $0x1;
	s10 =	sld [smem:$0x3FBA]  }
0x3d: {  	_ =	shalt  }
0x3e: {  	_ =	shalt  }
0x3f: {  	_ =	shalt  }
0x40: {  	_ =	shalt  }
0x41: {  	_ =	shalt  }
0x42: {  	_ =	shalt  }
0x43: {  	_ =	shalt  }
0x44: {  	_ =	shalt  }
0x45: {  	_ =	shalt  }
0x46: {  	_ =	shalt  }
0x47: {  	_ =	shalt  }
0x48: {  	_ =	shalt  }
0x49: {  	_ =	shalt  }
0x4a: {  	_ =	shalt  }
0x4b: {  	_ =	shalt  }
0x4c: {  	_ =	shalt  }
0x4d: {  	_ =	shalt  }
0x4e: {  	_ =	shalt  }
0x4f: {  	_ =	shalt  }
0x50: {  	_ =	shalt  }
0x51: {  	_ =	shalt  }
0x52: {  	_ =	shalt  }
0x53: {  	_ =	shalt  }
0x54: {  	_ =	shalt  }
0x55: {  	_ =	shalt  }
0x56: {  	_ =	shalt  }
0x57: {  	_ =	shalt  }
0x58: {  	_ =	shalt  }
0x59: {  	_ =	shalt  }
0x5a: {  	_ =	shalt  }
0x5b: {  	_ =	shalt  }
0x5c: {  	_ =	shalt  }
0x5d: {  	_ =	shalt  }
0x5e: {  	_ =	shalt  }
0x5f: {  	_ =	shalt  }
0x60: {  	_ =	shalt  }
0x61: {  	_ =	shalt  }
0x62: {  	_ =	shalt  }
0x63: {  	_ =	shalt  }
0x64: {  	_ =	shalt  }
0x65: {  	_ =	shalt  }
0x66: {  	_ =	shalt  }
0x67: {  	_ =	shalt  }
0x68: {  	_ =	shalt  }
0x69: {  	_ =	shalt  }
0x6a: {  	_ =	shalt  }
0x6b: {  	_ =	shalt  }
0x6c: {  	_ =	shalt  }
0x6d: {  	_ =	shalt  }
0x6e: {  	_ =	shalt  }
0x6f: {  	_ =	shalt  }
0x70: {  	_ =	shalt  }
0x71: {  	_ =	shalt  }
0x72: {  	_ =	shalt  }
0x73: {  	_ =	shalt  }
0x74: {  	_ =	shalt  }
0x75: {  	_ =	shalt  }
0x76: {  	_ =	shalt  }
0x77: {  	_ =	shalt  }
0x78: {  	_ =	shalt  }
0x79: {  	_ =	shalt  }
0x7a: {  	_ =	shalt  }
0x7b: {  	_ =	shalt  }
0x7c: {  	_ =	shalt  }
0x7d: {  	_ =	shalt  }
0x7e: {  	_ =	shalt  }
0x7f: {  	_ =	shalt  }
0x80: {  	_ =	shalt  }
0x81: {  	_ =	shalt  }
0x82: {  	_ =	shalt  }
0x83: {  	_ =	shalt  }
0x84: {  	_ =	shalt  }
0x85: {  	_ =	shalt  }
0x86: {  	_ =	shalt  }
0x87: {  	_ =	shalt  }
.Lfunc_end0:
.L_simem_size_0:
called_computation_lowered:
.L_overlay_start_0:
0x88: {  	s2 =	sld [smem:$0x3FD9]  }
0x89: {  	s3 =	sld [smem:$0x3FFE];
	_ =	sdelay $0x1  }
0x8a: {  	s1 =	srdreg.scid  }
0x8b: {  	s0 =	sand.u32 $0x1, s1  }
0x8c: {  	s17 =	sshll.u32 s0, $0xA;
	s2 =	sadd.s32 s3, s2  }
0x8d: {  	s2 =	sadd.s32 s2, s17  }
0x8e: {  	[smem:$0x3FC6] =	sst s2  }
0x8f: {  	_ = 	snop  }
0x90: {  	s2 =	sld [smem:$0x3FC8]  }
0x91: {  	s18 =	sld [smem:$0x3FD0];
	(tm) =	ssettm $0x1  }
0x92: {  	s4 =	sld [smem:$0x3FFB];
	_ =	sdelay $0x3  }
0x93: {  	_ =	strace s4  }
0x94: {  	s4 =	sld [smem:$0x3FFC];
	_ =	sdelay $0x3  }
0x95: {  	_ =	strace s4  }
0x96: {  	s4 =	sld [smem:$0x3FFD];
	_ =	sdelay $0x3  }
0x97: {  	_ =	strace s4  }
0x98: {  	_ =	strace $0x8FFFFFFF  }
0x99: {  	s19 =	sld [smem:$0x3FDB];
	_ =	sdelay $0x1  }
0x9a: {  	s5 =	simm.s32 $_scs_section_size  }
0x9b: {  	s6 =	simm.s32 $_size__tile_overlayer_lowered;
	s7 =	simm.s32 $_tile_overlayer_lowered  }
0x9c: {  	s22 =	simm.s32 $0x1BFF;
	s21 =	sshll.u32 s7, $0x1;
	s4 =	sadd.s32 s5, s19  }
0x9d: {  	s8 =	simm.s32 $0x0;
	s20 =	sshll.u32 s6, $0x1;
	s6 =	sadd.s32 s21, s4  }
0x9e: {  	[timem:s8], [sflag:s22] =	dma.local [hbm:s6], s20  }
0x9f: {  	_ =	swait.ge [sflag:s22], s20  }
0xa0: {  	s5 =	ssub.s32 $0x0, s20;
	[sflag:s22] =	ssyncset.done $0x0  }
0xa1: {  	[sflag:s22] =	ssyncadd.s32 s5;
	_ =	sdelay $0x1  }
0xa2: {  	s23 =	simm.s32 $0x1B8B  }
0xa3: {  	_ =	swait.ge [sflag:s23], $0x1  }
0xa4: {  	[sflag:s23] =	ssyncset.done $0x0  }
0xa5: {  	s25 =	simm.s32 $0x1B8E;
	s24 =	sld [smem:$0x3FFE];
	[sflag:s23] =	ssyncadd.s32 $0xFFFFFFFF  }
0xa6: {  	s26 =	simm.s32 $execute0_lowered;
	[smem:$0x3FD2] =	sst s25  }
0xa7: {  	s6 =	sshll.u32 s26, $0x1;
	_ =	strace $0x80000046;
	[dreg:$0x1] =	wrdreg $0xFFFFFFFF  }
0xa8: {  	s28 =	simm.s32 $_size_execute0_lowered;
	s4 =	sadd.s32 s4, s6;
	[dreg:$0x0] =	wrdreg $0x0  }
0xa9: {  	s6 =	sshll.u32 s28, $0x1;
	[dreg:$0x2] =	wrdreg s4  }
0xaa: {  	[dreg:$0x3] =	wrdreg s6  }
0xab: {  	[dreg:$0x4] =	wrdreg $0xC0  }
0xac: {  	_ =	task [dreg:s8], $0x5FFFF  }
0xad: {  	[dreg:$0x1] =	wrdreg $0xFFFFFFFF  }
0xae: {  	[dreg:$0x0] =	wrdreg $0x60  }
0xaf: {  	[dreg:$0x2] =	wrdreg s24  }
0xb0: {  	[dreg:$0x3] =	wrdreg s2  }
0xb1: {  	[dreg:$0x4] =	wrdreg s18  }
0xb2: {  	[dreg:$0x5] =	wrdreg $0x48800  }
0xb3: {  	[dreg:$0x6] =	wrdreg $0x9  }
0xb4: {  	_ =	task.clear_ibuf [dreg:s8], $0x7FFFF;
	_ =	strace $0x90000046  }
0xb5: {  	s29 =	simm.s32 $0x9;
	_ =	strace $0x80000048  }
0xb6: {  	_ =	swait.ge [sflag:s29], $0x1  }
0xb7: {  	[sflag:s29] =	ssyncadd.s32 $0xFFFFFFFF  }
0xb8: {  	_ =	strace $0x90000048  }
0xb9: {  	_ =	sfence  }
0xba: {  	s30 =	sld [smem:$0x0];
	_ =	sdelay $0x2  }
0xbb: {  	s31 =	sshll.u32 s1, $0xD;
	s1 =	sshrl.u32 s1, $0x2  }
0xbc: {  	s3 =	sand.u32 $0x4000, s31;
	s1 =	sadd.s32 s1, s30  }
0xbd: {  	s0 =	sor.u32 s3, s0;
	s1 =	sshll.u32 s1, $0x11  }
0xbe: {  	s0 =	sor.u32 s1, s0  }
0xbf: {  	s0 =	sadd.s32 $0x8F2B, s0  }
0xc0: {  	[sflag:s0] =	ssyncadd.remote.s32 $0x1  }
0xc1: {  	_ =	sfence.sel $0xFFFF  }
0xc2: {  	[dreg:$0x0] =	wrdreg $0xFFFFFFFF;
	(pc) =	sbr.abs _section_cstart, $3  }
0xc3: {  	[dreg:$0x1] =	wrdreg $0xFFFFFFFF  }
0xc4: {  	_ =	task.clear_ibuf [dreg:s8], $0x2FFFF;
	_ =	strace $0x9FFFFFFF  }
0xc5: {  	(tm) =	ssettm $0x7FFFFFFF  }
tec
execute0_lowered:
.L_overlay_start_1:
0x0: {  	(tag) =	ssettag $0x1  }
0x1: {  	s1 =	rddreg [dreg:$0x0]  }
0x2: {  	s0 =	rddreg [dreg:$0x1]  }
0x3: {  	s2 =	srdreg.scid;
	s3 =	rddreg [dreg:$0x2]  }
0x4: {  	s8 =	rddreg [dreg:$0x3];
	s15 =	stileid.u32;
	s4 =	simm.s32 $0x0  }
0x5: {  	s29 =	simm.s32 $0xD;
	s2 =	sand.u32 $0x1, s2;
	[smem:$0x7FF] =	sst s4  }
0x6: {  	s18 =	sshll.u32 s15, $0x7;
	s19 =	sadd.s32 $0xFFFFFFFF, s15;
	s10 =	sadd.s32 $0xFFFFFFFE, s15  }
0x7: {  	s11 =	sadd.s32 $0xFFFFFFFD, s15;
	s12 =	sand.u32 $0xC, s15;
	s13 =	sadd.s32 $0xFFFFFFFB, s15  }
0x8: {  	s14 =	sand.u32 $0xE, s15;
	s9 =	sadd.s32 $0x300, s0;
	s22 =	sshll.u32 s15, $0x11  }
0x9: {  	p1 =	sgt.u32 s15, $0xC;
	p2 =	sgt.u32 s15, $0xB;
	p3 =	sgt.u32 s15, $0xA  }
0xa: {  	p4 =	sgt.u32 s15, $0x9;
	p5 =	sgt.u32 s15, $0x8;
	p6 =	seq.s32 s15, $0x7  }
0xb: {  	s5 =	sshll.u32 s2, $0x4;
	s7 =	ssub.s32 $0x2, s2;
	_ =	strace $0x80000047  }
0xc: {  	s2 =	sshll.u32 s2, $0x15;
	p0 =	seq.s32 s14, $0x6;
	s14 =	simm.s32 $0x8  }
0xd: {  	s5 =	sor.u32 s15, s5;
	s17 =	sshrl.u32 s7, $0x1;
	s2 =	sadd.s32 s2, s3  }
0xe: {  	s6 =	sshll.u32 s5, $0xA;
	s5 =	sshll.u32 s5, $0x11;
	s2 =	sadd.s32 s22, s2  }
0xf: {  	s22 =	simm.s32 $0xC090;
	s1 =	sadd.s32 s6, s1;
	s6 =	ssub.s32 s7, s17  }
0x10: {  	s7 =	sadd.s32 $0x100, s0;
	s5 =	sadd.s32 s3, s5;
	[dreg:$0x5] =	wrdreg s2  }
0x11: {  	s2 =	simm.s32 @!p0 $0x0;
	s1 =	sadd.s32 $0x400, s1;
	[dreg:$0x8] =	wrdreg s5  }
0x12: {  	s3 =	simm.s32 $0x2;
	s16 =	sadd.s32 $0x800, s5;
	[dreg:$0x6] =	wrdreg s1  }
0x13: {  	s17 =	simm.s32 $0x14890;
	s20 =	sadd.s32 $0x1000, s5;
	[dreg:$0x9] =	wrdreg s16  }
0x14: {  	s21 =	sadd.s32 $0x1800, s5;
	s23 =	sadd.s32 $0x2000, s5;
	[dreg:$0xa] =	wrdreg s20  }
0x15: {  	s24 =	sadd.s32 $0x2800, s5;
	s25 =	sadd.s32 $0x1E000, s5;
	[dreg:$0xb] =	wrdreg s21  }
0x16: {  	s26 =	sadd.s32 $0x1E800, s5;
	s28 =	sadd.s32 $0x1F000, s5;
	[dreg:$0xc] =	wrdreg s23  }
0x17: {  	s2 =	simm.s32 @p0 $0x1;
	s30 =	sadd.s32 $0x1F800, s5;
	[dreg:$0xd] =	wrdreg s24  }
0x18: {  	s31 =	smax.u32 s6, $0x1;
	p0 =	slt.u32 s13, $0x3;
	[dreg:$0xe] =	wrdreg s25  }
0x19: {  	s6 =	simm.s32 $0x3;
	[smem:$0x7F6] =	sst s2;
	s2 =	simm.s32 @!p0 $0x0  }
0x1a: {  	[dreg:$0xf] =	wrdreg s26;
	s2 =	simm.s32 @p0 $0x1;
	p0 =	seq.s32 s15, $0xF  }
0x1b: {  	s5 =	simm.s32 $0x4;
	[smem:$0x7F7] =	sst s2;
	s2 =	simm.s32 @!p0 $0x0  }
0x1c: {  	[dreg:$0x10] =	wrdreg s28;
	s2 =	simm.s32 @p0 $0x1;
	p0 =	seq.s32 s12, $0x4  }
0x1d: {  	s13 =	simm.s32 $0x5;
	[smem:$0x7F8] =	sst s2;
	s2 =	simm.s32 @!p0 $0x0  }
0x1e: {  	[dreg:$0x11] =	wrdreg s30;
	s2 =	simm.s32 @p0 $0x1;
	p0 =	slt.u32 s11, $0x5  }
0x1f: {  	s1 =	sadd.s32 s18, s8;
	[smem:$0x7F9] =	sst s2;
	s2 =	simm.s32 @!p0 $0x0  }
0x20: {  	[dreg:$0x12] =	wrdreg s31;
	s2 =	simm.s32 @p0 $0x1;
	p0 =	slt.u32 s10, $0x6  }
0x21: {  	s8 =	sadd.s32 $0x200, s0;
	[smem:$0x7FA] =	sst s2;
	s2 =	simm.s32 @!p0 $0x0  }
0x22: {  	s18 =	simm.s32 $0x9;
	s2 =	simm.s32 @p0 $0x1;
	p0 =	slt.u32 s19, $0x7  }
0x23: {  	s23 =	simm.s32 $0x8890;
	[dreg:$0x7] =	wrdreg s1;
	s1 =	simm.s32 @!p0 $0x0  }
0x24: {  	s21 =	simm.s32 $0x10890;
	s1 =	simm.s32 @p0 $0x1;
	p0 =	sgt.u32 s15, $0xD  }
0x25: {  	v3 =	vlaneseq.u32;
	s11 =	simm.s32 $0x7;
	[smem:$0x7FB] =	sst s2;
	s2 =	simm.s32 @!p0 $0x0  }
0x26: {  	v0 =	vimm.s32 $0x0;
	vm0 =	vmmov $0xffff;
	v2 =	vshrl.u32 v3, $0x3;
	s10 =	simm.s32 $0x1;
	[smem:$0x7FC] =	sst s1;
	s2 =	simm.s32 @p0 $0x1  }
0x27: {  	v1 =	vand.u32 $0x7, v3;
	v3 =	vor.u32 $0x8, v3;
	v2 =	vmul.u32 $0x8, v2;
	s1 =	simm.s32 $0x4890;
	[smem:$0x7FD] =	sst s2;
	s2 =	simm.s32 $0x0  }
.LBB2_1:
0x28: {  	s12 =	rddreg [dreg:$0x6]  }
0x29: {  	[tilespmem:s4], [sflag:$0xD] =	stream.linear.gather [hbm4b:s12+s4], $0x2000, $0x38;
	[tilespmem:$0x1C890] =	vst v63  }
0x2a: {  	_ =	swait.ge [sflag:s29], $0x2000  }
0x2b: {  	[sflag:s29] =	ssyncset.done $0x0  }
0x2c: {  	[sflag:s29] =	ssyncadd.s32 $0xFFFFE000  }
0x2d: {  	s31 =	simm.s32 $0x0;
	[tilespmem:$0x4000] =	vst v0  }
0x2e: {  	v4 =	vld [tilespmem:s31+$0x0];
	_ =	sdelay $0x4  }
0x2f: {  	vm1 =	vne.s32 v4, $0x1  }
0x30: {  	v4 =	vsel vm1, $0x1, v0  }
0x31: {  	(xrf0) =	vadd.scan.msk.s32 $0xffff, v4;
	_ =	sdelay $0x5  }
0x32: {  	v4, _, _ =	vpop (xrf0)  }
0x33: {  	v5 =	vadd.s32 v0, v4  }
0x34: {  	[tilespmem:s31+$0x2000] =	vst v5  }
0x35: {  	v5 =	vld [tilespmem:$0x4000];
	_ =	sdelay $0x2  }
0x36: {  	v4 =	vbroadcast v4, $0xF;
	_ =	sdelay $0x1  }
0x37: {  	s16 =	simm.s32 $0x400;
	s12 =	simm.s32 $0x200;
	v4 =	vadd.s32 v5, v4  }
.LBB2_2:
0x38: {  	p0 =	sne.s32 s16, $0x7E00  }
0x39: {  	s28 =	sshra.s32 s12, $0x2;
	[tilespmem:$0x4000] =	vst v4;
	s12 =	smov.u32 s16;
	s16 =	sadd.s32 $0x200, s16  }
0x3a: {  	v5 =	vld [tilespmem:s28+$0x0];
	_ =	sdelay $0x4  }
0x3b: {  	vm1 =	vne.s32 v5, $0x1  }
0x3c: {  	v5 =	vsel vm1, $0x1, v0  }
0x3d: {  	(xrf0) =	vadd.scan.msk.s32 $0xffff, v5;
	_ =	sdelay $0x5  }
0x3e: {  	v5, _, _ =	vpop (xrf0)  }
0x3f: {  	v4 =	vadd.s32 v4, v5  }
0x40: {  	[tilespmem:s28+$0x2000] =	vst v4  }
0x41: {  	v4 =	vld [tilespmem:$0x4000]  }
.Ltmp0:
0x42: {  	(pc) =	sbr.rel @p0 .LBB2_2-.Ltmp0, $3  }
0x43: {  	_ = 	snop  }
0x44: {  	v5 =	vbroadcast v5, $0xF;
	_ =	sdelay $0x1  }
0x45: {  	v4 =	vadd.s32 v4, v5  }
0x46: {  	s12 =	sshra.s32 s12, $0x2;
	[tilespmem:$0x4000] =	vst v4  }
0x47: {  	v5 =	vld [tilespmem:s12+$0x0];
	_ =	sdelay $0x4  }
0x48: {  	vm1 =	vne.s32 v5, $0x1  }
0x49: {  	v5 =	vsel vm1, $0x1, v0  }
0x4a: {  	(xrf0) =	vadd.scan.msk.s32 $0xffff, v5;
	_ =	sdelay $0x5  }
0x4b: {  	v5, _, _ =	vpop (xrf0)  }
0x4c: {  	v4 =	vadd.s32 v4, v5  }
0x4d: {  	[tilespmem:s12+$0x2000] =	vst v4  }
0x4e: {  	v4 =	vld [tilespmem:$0x4000];
	_ =	sdelay $0x2  }
0x4f: {  	v5 =	vbroadcast v5, $0xF;
	_ =	sdelay $0x1  }
0x50: {  	[dreg:$0x13] =	wrdreg s2;
	v4 =	vadd.s32 v4, v5  }
0x51: {  	s20 =	rddreg [dreg:$0x7];
	s16 =	simm.s32 $0x4000;
	[tilespmem:$0x4000] =	vst v4  }
0x52: {  	[spmem:s20] =	stream.linear.scatter [tilespmem:s16], [sflag:$0xD], $0x80, $0x38;
	[tilespmem:$0x1C890] =	vst v63  }
0x53: {  	_ =	swait.ge [sflag:s29], $0x80  }
0x54: {  	[sflag:s29] =	ssyncset.done $0x0  }
0x55: {  	[sflag:s29] =	ssyncadd.s32 $0xFFFFFF80  }
0x56: {  	[bflag:$0x0] =	sbarrier.arrive $0xFFFF  }
0x57: {  	s25 =	simm.s32 $0x4080;
	s24 =	rddreg [dreg:$0x3]  }
0x58: {  	[tilespmem:s25], [sflag:$0xD] =	stream.linear.gather [spmem:s24], $0x800, $0x38;
	[tilespmem:$0x1C890] =	vst v63  }
0x59: {  	_ =	swait.ge [sflag:s29], $0x800  }
0x5a: {  	[sflag:s29] =	ssyncset.done $0x0  }
0x5b: {  	[sflag:s29] =	ssyncadd.s32 $0xFFFFF800  }
0x5c: {  	v4 =	vld [tilespmem:$0x4080]  }
0x5d: {  	v5 =	vld [tilespmem:$0x4100];
	_ =	sdelay $0x1  }
0x5e: {  	v6 =	vld [tilespmem:$0x4180]  }
0x5f: {  	v7 =	vld [tilespmem:$0x4200]  }
0x60: {  	v4 =	vxor.u32 $0x80000000, v4  }
0x61: {  	v8 =	vld [tilespmem:$0x4280];
	(xrf0) =	vmax.scan.msk.u32 $0xffff, v4;
	v4 =	vxor.u32 $0x80000000, v5  }
0x62: {  	(xrf0) =	vmax.scan.msk.u32 $0xffff, v4  }
0x63: {  	v5 =	vld [tilespmem:$0x4300];
	v4 =	vxor.u32 $0x80000000, v6  }
0x64: {  	v6 =	vxor.u32 $0x80000000, v7;
	(xrf0) =	vmax.scan.msk.u32 $0xffff, v4;
	v4 =	vld [tilespmem:$0x4380]  }
0x65: {  	v7 =	vld [tilespmem:$0x4480];
	(xrf0) =	vmax.scan.msk.u32 $0xffff, v6  }
0x66: {  	v6 =	vxor.u32 $0x80000000, v8  }
0x67: {  	(xrf0) =	vmax.scan.msk.u32 $0xffff, v6;
	v6 =	vld [tilespmem:$0x4500];
	v59, _, _ =	vpop (xrf0)  }
0x68: {  	v9 =	vld [tilespmem:$0x4580];
	v5 =	vxor.u32 $0x80000000, v5;
	(v2sf) =	vpush v59, $0xF;
	v60, _, _ =	vpop (xrf0)  }
0x69: {  	(xrf0) =	vmax.scan.msk.u32 $0xffff, v5;
	v5 =	vld [tilespmem:$0x4600];
	v4 =	vxor.u32 $0x80000000, v4;
	(v2sf) =	vpush v60, $0xF  }
0x6a: {  	v61, _, _ =	vpop (xrf0);
	(xrf0) =	vmax.scan.msk.u32 $0xffff, v4;
	v4 =	vxor.u32 $0x80000000, v7  }
0x6b: {  	(v2sf) =	vpush v61, $0xF;
	(xrf0) =	vmax.scan.msk.u32 $0xffff, v4;
	v4 =	vld [tilespmem:$0x4680];
	v7, _, _ =	vpop (xrf0)  }
0x6c: {  	v6 =	vxor.u32 $0x80000000, v6;
	(v2sf) =	vpush v7, $0xF  }
0x6d: {  	v62 =	vld [tilespmem:$0x4700];
	v7, _, _ =	vpop (xrf0);
	(xrf0) =	vmax.scan.msk.u32 $0xffff, v6;
	v6 =	vxor.u32 $0x80000000, v9  }
0x6e: {  	(v2sf) =	vpush v7, $0xF;
	v5 =	vxor.u32 $0x80000000, v5  }
0x6f: {  	v63 =	vld [tilespmem:$0x4780]  }
0x70: {  	(xrf0) =	vmax.scan.msk.u32 $0xffff, v6;
	v6, _, _ =	vpop (xrf0);
	v4 =	vxor.u32 $0x80000000, v4  }
0x71: {  	(xrf0) =	vmax.scan.msk.u32 $0xffff, v5;
	(v2sf) =	vpush v6, $0xF;
	v5, _, _ =	vpop (xrf0)  }
0x72: {  	(v2sf) =	vpush v5, $0xF;
	v5 =	vxor.u32 $0x80000000, v62  }
0x73: {  	(xrf0) =	vmax.scan.msk.u32 $0xffff, v4;
	v4, _, _ =	vpop (xrf0)  }
0x74: {  	(xrf0) =	vmax.scan.msk.u32 $0xffff, v5;
	(v2sf) =	vpush v4, $0xF;
	v4 =	vxor.u32 $0x80000000, v63  }
0x75: {  	s30 =	sld [smem:$0x7FB];
	v5, _, _ =	vpop (xrf0)  }
0x76: {  	s29 =	sld [smem:$0x7FC];
	(xrf0) =	vmax.scan.msk.u32 $0xffff, v4;
	(v2sf) =	vpush v5, $0xF  }
0x77: {  	s19 =	sld [smem:$0x7FA];
	v4, _, _ =	vpop (xrf0);
	s26 =	spop (v2sf)  }
0x78: {  	s20 =	sld [smem:$0x7F9];
	v5, _, _ =	vpop (xrf0);
	(v2sf) =	vpush v4, $0xF;
	s28 =	spop (v2sf)  }
0x79: {  	p0 =	seq.s32 s29, $0x1;
	(v2sf) =	vpush v5, $0xF;
	v4, _, _ =	vpop (xrf0);
	s12 =	sxor.u32 $0x80000000, s26;
	s16 =	sxor.u32 $0x80000000, s28  }
0x7a: {  	v5, _, _ =	vpop (xrf0);
	(v2sf) =	vpush v4, $0xF;
	s28 =	spop (v2sf);
	s12 =	simm.s32 @!p0 $0x0;
	p0 =	seq.s32 s30, $0x1  }
0x7b: {  	s25 =	sld [smem:$0x7F7];
	(v2sf) =	vpush v5, $0xF;
	s16 =	simm.s32 @!p0 $0x0;
	s31 =	spop (v2sf)  }
0x7c: {  	v4, _, _ =	vpop (xrf0);
	p0 =	seq.s32 s19, $0x1;
	s12 =	sadd.s32 s12, s16;
	s16 =	sxor.u32 $0x80000000, s28  }
0x7d: {  	(v2sf) =	vpush v4, $0xF;
	s15 =	spop (v2sf);
	s29 =	sxor.u32 $0x80000000, s31;
	s16 =	simm.s32 @!p0 $0x0  }
0x7e: {  	s31 =	sld [smem:$0x7F6];
	p0 =	seq.s32 s20, $0x1;
	s12 =	sadd.s32 s16, s12  }
0x7f: {  	s29 =	simm.s32 @!p0 $0x0;
	s16 =	sxor.u32 $0x80000000, s15;
	p0 =	seq.s32 s25, $0x1  }
0x80: {  	s24 =	spop (v2sf);
	s12 =	sadd.s32 s29, s12;
	s16 =	simm.s32 @!p0 $0x0  }
0x81: {  	p0 =	seq.s32 s31, $0x1;
	s12 =	sadd.s32 s16, s12;
	s16 =	sxor.u32 $0x80000000, s24  }
0x82: {  	s26 =	spop (v2sf);
	s16 =	simm.s32 @!p0 $0x0  }
0x83: {  	s29 =	sxor.u32 $0x80000000, s26;
	s12 =	sadd.s32 s16, s12;
	s30 =	spop (v2sf)  }
0x84: {  	s29 =	simm.s32 @!p6 $0x0;
	s16 =	sxor.u32 $0x80000000, s30;
	s30 =	sld [smem:$0x7FD]  }
0x85: {  	s12 =	sadd.s32 s29, s12;
	s15 =	spop (v2sf);
	s16 =	simm.s32 @!p5 $0x0  }
0x86: {  	s31 =	sld [smem:$0x7F8];
	s12 =	sadd.s32 s16, s12;
	s16 =	sxor.u32 $0x80000000, s15  }
0x87: {  	s19 =	spop (v2sf);
	s16 =	simm.s32 @!p4 $0x0;
	p0 =	seq.s32 s30, $0x1  }
0x88: {  	s20 =	spop (v2sf);
	s29 =	sxor.u32 $0x80000000, s19;
	s12 =	sadd.s32 s16, s12  }
0x89: {  	s29 =	simm.s32 @!p3 $0x0;
	s16 =	sxor.u32 $0x80000000, s20;
	s24 =	spop (v2sf)  }
0x8a: {  	s12 =	sadd.s32 s29, s12;
	s16 =	simm.s32 @!p2 $0x0;
	s25 =	spop (v2sf)  }
0x8b: {  	s12 =	sadd.s32 s16, s12;
	s16 =	sxor.u32 $0x80000000, s24;
	s28 =	sxor.u32 $0x80000000, s25  }
0x8c: {  	s26 =	spop (v2sf);
	s16 =	simm.s32 @!p1 $0x0;
	s28 =	simm.s32 @!p0 $0x0  }
0x8d: {  	p0 =	seq.s32 s31, $0x1;
	s12 =	sadd.s32 s16, s12;
	s16 =	sxor.u32 $0x80000000, s26  }
0x8e: {  	s12 =	sadd.s32 s28, s12;
	s16 =	simm.s32 @!p0 $0x0  }
0x8f: {  	s12 =	sadd.s32 s16, s12  }
0x90: {  	v4 =	vmov s12  }
0x91: {  	s12 =	simm.s32 $0x0;
	v4 =	vadd.s32 $0x1, v4  }
0x92: {  	s16 =	simm.s32 $0x200;
	v5 =	vld [tilespmem:s12+$0x0];
	v4 =	vbroadcast v4, $0x0  }
.LBB2_4:
0x93: {  	p0 =	sne.s32 s16, $0x7E00;
	v6 =	vld [tilespmem:s12+$0x2000];
	_ =	sdelay $0x2  }
.Ltmp1:
0x94: {  	(pc) =	sbr.rel @p0 .LBB2_4-.Ltmp1, $4  }
0x95: {  	_ = 	snop  }
0x96: {  	vm1 =	veq.s32 v5, $0x1;
	v5 =	vadd.s32 v6, v4  }
0x97: {  	s28 =	sshra.s32 s16, $0x2;
	v6 =	vsel vm1, $0x1, v5  }
0x98: {  	s16 =	sadd.s32 $0x200, s16;
	v5 =	vld [tilespmem:s28+$0x0];
	[tilespmem:s12+$0x2000] =	vst v6;
	s12 =	smov.u32 s28  }
0x99: {  	v6 =	vld [tilespmem:s12+$0x2000];
	_ =	sdelay $0x4  }
0x9a: {  	vm1 =	veq.s32 v5, $0x1;
	v4 =	vadd.s32 v6, v4  }
0x9b: {  	v4 =	vsel vm1, $0x1, v4  }
0x9c: {  	[tilespmem:s12+$0x2000] =	vst v4  }
0x9d: {  	v4 =	vld [tilespmem:$0x2000];
	_ =	sdelay $0x4  }
0x9e: {  	v5 =	vshll.u32 v4, $0x3  }
0x9f: {  	v4 =	vand.u32 $0x7, v4;
	v5 =	vand.u32 $0xFFFFFFC0, v5  }
0xa0: {  	v4 =	vor.u32 v4, v5  }
0xa1: {  	v5 =	vperm.xlane v4, v1;
	_ =	sdelay $0x1  }
0xa2: {  	v5 =	vadd.s32 v2, v5;
	_ =	sdelay $0x3  }
0xa3: {  	s16 =	simm.s32 $0x0  }
0xa4: {  	[tilespmem:s1], [sflag:$0x1] =	stream.indirect_vreg.gather [hbm4b:s0+s16], $0x80, v5, vm0, $0xb8;
	[tilespmem:$0x1C890] =	vst v63  }
0xa5: {  	s28 =	simm.s32 $0x5090;
	v4 =	vperm.xlane v4, v3  }
0xa6: {  	[tilespmem:s28], [sflag:$0x1] =	stream.indirect_vreg.gather [hbm4b:s7+s16], $0x80, v5, vm0, $0xb8;
	[tilespmem:$0x1C890] =	vst v63  }
0xa7: {  	s29 =	simm.s32 $0x5890;
	v4 =	vadd.s32 v2, v4  }
0xa8: {  	[tilespmem:s29], [sflag:$0x1] =	stream.indirect_vreg.gather [hbm4b:s8+s16], $0x80, v5, vm0, $0xb8;
	[tilespmem:$0x1C890] =	vst v63  }
0xa9: {  	s24 =	simm.s32 $0x6090  }
0xaa: {  	[tilespmem:s24], [sflag:$0x1] =	stream.indirect_vreg.gather [hbm4b:s9+s16], $0x80, v5, vm0, $0xb8;
	[tilespmem:$0x1C890] =	vst v63  }
0xab: {  	s25 =	simm.s32 $0x6890  }
0xac: {  	[tilespmem:s25], [sflag:$0x1] =	stream.indirect_vreg.gather [hbm4b:s0+s16], $0x80, v4, vm0, $0xb8;
	[tilespmem:$0x1C890] =	vst v63  }
0xad: {  	s26 =	simm.s32 $0x7090  }
0xae: {  	[tilespmem:s26], [sflag:$0x1] =	stream.indirect_vreg.gather [hbm4b:s7+s16], $0x80, v4, vm0, $0xb8;
	[tilespmem:$0x1C890] =	vst v63  }
0xaf: {  	s12 =	simm.s32 $0x7890  }
0xb0: {  	[tilespmem:s12], [sflag:$0x1] =	stream.indirect_vreg.gather [hbm4b:s8+s16], $0x80, v4, vm0, $0xb8;
	[tilespmem:$0x1C890] =	vst v63  }
0xb1: {  	s15 =	simm.s32 $0x8090  }
0xb2: {  	[tilespmem:s15], [sflag:$0x1] =	stream.indirect_vreg.gather [hbm4b:s9+s16], $0x80, v4, vm0, $0xb8;
	[tilespmem:$0x1C890] =	vst v63  }
0xb3: {  	v4 =	vld [tilespmem:$0x2080];
	_ =	sdelay $0x4  }
0xb4: {  	v5 =	vshll.u32 v4, $0x3  }
0xb5: {  	v4 =	vand.u32 $0x7, v4;
	v5 =	vand.u32 $0xFFFFFFC0, v5  }
0xb6: {  	v4 =	vor.u32 v4, v5  }
0xb7: {  	v5 =	vperm.xlane v4, v1;
	_ =	sdelay $0x1  }
0xb8: {  	v5 =	vadd.s32 v2, v5;
	_ =	sdelay $0x4  }
0xb9: {  	[tilespmem:s23], [sflag:$0x2] =	stream.indirect_vreg.gather [hbm4b:s0+s16], $0x80, v5, vm0, $0xb8;
	[tilespmem:$0x1C890] =	vst v63  }
0xba: {  	s15 =	simm.s32 $0x9090;
	v4 =	vperm.xlane v4, v3  }
0xbb: {  	[tilespmem:s15], [sflag:$0x2] =	stream.indirect_vreg.gather [hbm4b:s7+s16], $0x80, v5, vm0, $0xb8;
	[tilespmem:$0x1C890] =	vst v63  }
0xbc: {  	s20 =	simm.s32 $0x9890;
	v4 =	vadd.s32 v2, v4  }
0xbd: {  	[tilespmem:s20], [sflag:$0x2] =	stream.indirect_vreg.gather [hbm4b:s8+s16], $0x80, v5, vm0, $0xb8;
	[tilespmem:$0x1C890] =	vst v63  }
0xbe: {  	s19 =	simm.s32 $0xA090  }
0xbf: {  	[tilespmem:s19], [sflag:$0x2] =	stream.indirect_vreg.gather [hbm4b:s9+s16], $0x80, v5, vm0, $0xb8;
	[tilespmem:$0x1C890] =	vst v63  }
0xc0: {  	s25 =	simm.s32 $0xA890  }
0xc1: {  	[tilespmem:s25], [sflag:$0x2] =	stream.indirect_vreg.gather [hbm4b:s0+s16], $0x80, v4, vm0, $0xb8;
	[tilespmem:$0x1C890] =	vst v63  }
0xc2: {  	s26 =	simm.s32 $0xB090  }
0xc3: {  	[tilespmem:s26], [sflag:$0x2] =	stream.indirect_vreg.gather [hbm4b:s7+s16], $0x80, v4, vm0, $0xb8;
	[tilespmem:$0x1C890] =	vst v63  }
0xc4: {  	s19 =	simm.s32 $0xB890  }
0xc5: {  	[tilespmem:s19], [sflag:$0x2] =	stream.indirect_vreg.gather [hbm4b:s8+s16], $0x80, v4, vm0, $0xb8;
	[tilespmem:$0x1C890] =	vst v63  }
0xc6: {  	_ = 	snop  }
0xc7: {  	[tilespmem:s22], [sflag:$0x2] =	stream.indirect_vreg.gather [hbm4b:s9+s16], $0x80, v4, vm0, $0xb8;
	[tilespmem:$0x1C890] =	vst v63  }
0xc8: {  	v4 =	vld [tilespmem:$0x2100];
	_ =	sdelay $0x4  }
0xc9: {  	v5 =	vshll.u32 v4, $0x3  }
0xca: {  	v4 =	vand.u32 $0x7, v4;
	v5 =	vand.u32 $0xFFFFFFC0, v5  }
0xcb: {  	v4 =	vor.u32 v4, v5  }
0xcc: {  	v5 =	vperm.xlane v4, v1;
	_ =	sdelay $0x1  }
0xcd: {  	v5 =	vadd.s32 v2, v5;
	_ =	sdelay $0x3  }
0xce: {  	s22 =	simm.s32 $0xC890  }
0xcf: {  	[tilespmem:s22], [sflag:$0x3] =	stream.indirect_vreg.gather [hbm4b:s0+s16], $0x80, v5, vm0, $0xb8;
	[tilespmem:$0x1C890] =	vst v63  }
0xd0: {  	s26 =	simm.s32 $0xD090;
	v4 =	vperm.xlane v4, v3  }
0xd1: {  	[tilespmem:s26], [sflag:$0x3] =	stream.indirect_vreg.gather [hbm4b:s7+s16], $0x80, v5, vm0, $0xb8;
	[tilespmem:$0x1C890] =	vst v63  }
0xd2: {  	s30 =	simm.s32 $0xD890;
	v4 =	vadd.s32 v2, v4  }
0xd3: {  	[tilespmem:s30], [sflag:$0x3] =	stream.indirect_vreg.gather [hbm4b:s8+s16], $0x80, v5, vm0, $0xb8;
	[tilespmem:$0x1C890] =	vst v63  }
0xd4: {  	s25 =	simm.s32 $0xE090  }
0xd5: {  	[tilespmem:s25], [sflag:$0x3] =	stream.indirect_vreg.gather [hbm4b:s9+s16], $0x80, v5, vm0, $0xb8;
	[tilespmem:$0x1C890] =	vst v63  }
0xd6: {  	s31 =	simm.s32 $0xE890  }
0xd7: {  	[tilespmem:s31], [sflag:$0x3] =	stream.indirect_vreg.gather [hbm4b:s0+s16], $0x80, v4, vm0, $0xb8;
	[tilespmem:$0x1C890] =	vst v63  }
0xd8: {  	s12 =	simm.s32 $0xF090  }
0xd9: {  	[tilespmem:s12], [sflag:$0x3] =	stream.indirect_vreg.gather [hbm4b:s7+s16], $0x80, v4, vm0, $0xb8;
	[tilespmem:$0x1C890] =	vst v63  }
0xda: {  	s12 =	simm.s32 $0xF890  }
0xdb: {  	[tilespmem:s12], [sflag:$0x3] =	stream.indirect_vreg.gather [hbm4b:s8+s16], $0x80, v4, vm0, $0xb8;
	[tilespmem:$0x1C890] =	vst v63  }
0xdc: {  	s12 =	simm.s32 $0x10090  }
0xdd: {  	[tilespmem:s12], [sflag:$0x3] =	stream.indirect_vreg.gather [hbm4b:s9+s16], $0x80, v4, vm0, $0xb8;
	[tilespmem:$0x1C890] =	vst v63  }
0xde: {  	_ =	swait.ge [sflag:s10], $0x4000  }
0xdf: {  	[sflag:s10] =	ssyncset.done $0x0  }
0xe0: {  	s2 =	simm.s32 $0x4890;
	[sflag:s10] =	ssyncadd.s32 $0xFFFFC000;
	s10 =	rddreg [dreg:$0x8]  }
0xe1: {  	[hbm4b:s10+s16] =	stream.linear.scatter [tilespmem:s2], [sflag:$0x7], $0x4000, $0x38;
	[tilespmem:$0x1C890] =	vst v63  }
0xe2: {  	v4 =	vld [tilespmem:$0x2180];
	_ =	sdelay $0x4  }
0xe3: {  	v5 =	vshll.u32 v4, $0x3  }
0xe4: {  	v4 =	vand.u32 $0x7, v4;
	v5 =	vand.u32 $0xFFFFFFC0, v5  }
0xe5: {  	v4 =	vor.u32 v4, v5  }
0xe6: {  	v5 =	vperm.xlane v4, v1;
	_ =	sdelay $0x1  }
0xe7: {  	v5 =	vadd.s32 v2, v5;
	_ =	sdelay $0x4  }
0xe8: {  	[tilespmem:s21], [sflag:$0x4] =	stream.indirect_vreg.gather [hbm4b:s0+s16], $0x80, v5, vm0, $0xb8;
	[tilespmem:$0x1C890] =	vst v63  }
0xe9: {  	s12 =	simm.s32 $0x11090;
	v4 =	vperm.xlane v4, v3  }
0xea: {  	[tilespmem:s12], [sflag:$0x4] =	stream.indirect_vreg.gather [hbm4b:s7+s16], $0x80, v5, vm0, $0xb8;
	[tilespmem:$0x1C890] =	vst v63  }
0xeb: {  	s10 =	simm.s32 $0x11890;
	v4 =	vadd.s32 v2, v4  }
0xec: {  	[tilespmem:s10], [sflag:$0x4] =	stream.indirect_vreg.gather [hbm4b:s8+s16], $0x80, v5, vm0, $0xb8;
	[tilespmem:$0x1C890] =	vst v63  }
0xed: {  	s12 =	simm.s32 $0x12090  }
0xee: {  	[tilespmem:s12], [sflag:$0x4] =	stream.indirect_vreg.gather [hbm4b:s9+s16], $0x80, v5, vm0, $0xb8;
	[tilespmem:$0x1C890] =	vst v63  }
0xef: {  	s10 =	simm.s32 $0x12890  }
0xf0: {  	[tilespmem:s10], [sflag:$0x4] =	stream.indirect_vreg.gather [hbm4b:s0+s16], $0x80, v4, vm0, $0xb8;
	[tilespmem:$0x1C890] =	vst v63  }
0xf1: {  	s12 =	simm.s32 $0x13090  }
0xf2: {  	[tilespmem:s12], [sflag:$0x4] =	stream.indirect_vreg.gather [hbm4b:s7+s16], $0x80, v4, vm0, $0xb8;
	[tilespmem:$0x1C890] =	vst v63  }
0xf3: {  	s10 =	simm.s32 $0x13890  }
0xf4: {  	[tilespmem:s10], [sflag:$0x4] =	stream.indirect_vreg.gather [hbm4b:s8+s16], $0x80, v4, vm0, $0xb8;
	[tilespmem:$0x1C890] =	vst v63  }
0xf5: {  	s12 =	simm.s32 $0x14090  }
0xf6: {  	[tilespmem:s12], [sflag:$0x4] =	stream.indirect_vreg.gather [hbm4b:s9+s16], $0x80, v4, vm0, $0xb8;
	[tilespmem:$0x1C890] =	vst v63  }
0xf7: {  	_ =	swait.ge [sflag:s3], $0x4000  }
0xf8: {  	[sflag:s3] =	ssyncset.done $0x0  }
0xf9: {  	s10 =	rddreg [dreg:$0x9];
	[sflag:s3] =	ssyncadd.s32 $0xFFFFC000  }
0xfa: {  	[hbm4b:s10+s16] =	stream.linear.scatter [tilespmem:s23], [sflag:$0x8], $0x4000, $0x38;
	[tilespmem:$0x1C890] =	vst v63  }
0xfb: {  	v4 =	vld [tilespmem:$0x2200];
	_ =	sdelay $0x4  }
0xfc: {  	v5 =	vshll.u32 v4, $0x3  }
0xfd: {  	v4 =	vand.u32 $0x7, v4;
	v5 =	vand.u32 $0xFFFFFFC0, v5  }
0xfe: {  	v4 =	vor.u32 v4, v5  }
0xff: {  	v5 =	vperm.xlane v4, v1;
	_ =	sdelay $0x1  }
0x100: {  	v5 =	vadd.s32 v2, v5;
	_ =	sdelay $0x4  }
0x101: {  	[tilespmem:s17], [sflag:$0x5] =	stream.indirect_vreg.gather [hbm4b:s0+s16], $0x80, v5, vm0, $0xb8;
	[tilespmem:$0x1C890] =	vst v63  }
0x102: {  	s12 =	simm.s32 $0x15090;
	v4 =	vperm.xlane v4, v3  }
0x103: {  	[tilespmem:s12], [sflag:$0x5] =	stream.indirect_vreg.gather [hbm4b:s7+s16], $0x80, v5, vm0, $0xb8;
	[tilespmem:$0x1C890] =	vst v63  }
0x104: {  	s3 =	simm.s32 $0x15890;
	v4 =	vadd.s32 v2, v4  }
0x105: {  	[tilespmem:s3], [sflag:$0x5] =	stream.indirect_vreg.gather [hbm4b:s8+s16], $0x80, v5, vm0, $0xb8;
	[tilespmem:$0x1C890] =	vst v63  }
0x106: {  	s10 =	simm.s32 $0x16090  }
0x107: {  	[tilespmem:s10], [sflag:$0x5] =	stream.indirect_vreg.gather [hbm4b:s9+s16], $0x80, v5, vm0, $0xb8;
	[tilespmem:$0x1C890] =	vst v63  }
0x108: {  	s12 =	simm.s32 $0x16890  }
0x109: {  	[tilespmem:s12], [sflag:$0x5] =	stream.indirect_vreg.gather [hbm4b:s0+s16], $0x80, v4, vm0, $0xb8;
	[tilespmem:$0x1C890] =	vst v63  }
0x10a: {  	s3 =	simm.s32 $0x17090  }
0x10b: {  	[tilespmem:s3], [sflag:$0x5] =	stream.indirect_vreg.gather [hbm4b:s7+s16], $0x80, v4, vm0, $0xb8;
	[tilespmem:$0x1C890] =	vst v63  }
0x10c: {  	s10 =	simm.s32 $0x17890  }
0x10d: {  	[tilespmem:s10], [sflag:$0x5] =	stream.indirect_vreg.gather [hbm4b:s8+s16], $0x80, v4, vm0, $0xb8;
	[tilespmem:$0x1C890] =	vst v63  }
0x10e: {  	s12 =	simm.s32 $0x18090  }
0x10f: {  	[tilespmem:s12], [sflag:$0x5] =	stream.indirect_vreg.gather [hbm4b:s9+s16], $0x80, v4, vm0, $0xb8;
	[tilespmem:$0x1C890] =	vst v63  }
0x110: {  	_ =	swait.ge [sflag:s6], $0x4000  }
0x111: {  	[sflag:s6] =	ssyncset.done $0x0  }
0x112: {  	s3 =	rddreg [dreg:$0xa];
	[sflag:s6] =	ssyncadd.s32 $0xFFFFC000  }
0x113: {  	[hbm4b:s3+s16] =	stream.linear.scatter [tilespmem:s22], [sflag:$0x9], $0x4000, $0x38;
	[tilespmem:$0x1C890] =	vst v63  }
0x114: {  	v4 =	vld [tilespmem:$0x2280];
	_ =	sdelay $0x4  }
0x115: {  	v5 =	vshll.u32 v4, $0x3  }
0x116: {  	v4 =	vand.u32 $0x7, v4;
	v5 =	vand.u32 $0xFFFFFFC0, v5  }
0x117: {  	v4 =	vor.u32 v4, v5  }
0x118: {  	v5 =	vperm.xlane v4, v1;
	_ =	sdelay $0x1  }
0x119: {  	v5 =	vadd.s32 v2, v5;
	_ =	sdelay $0x3  }
0x11a: {  	s1 =	simm.s32 $0x18890  }
0x11b: {  	[tilespmem:s1], [sflag:$0x6] =	stream.indirect_vreg.gather [hbm4b:s0+s16], $0x80, v5, vm0, $0xb8;
	[tilespmem:$0x1C890] =	vst v63  }
0x11c: {  	s6 =	simm.s32 $0x19090;
	v4 =	vperm.xlane v4, v3  }
0x11d: {  	[tilespmem:s6], [sflag:$0x6] =	stream.indirect_vreg.gather [hbm4b:s7+s16], $0x80, v5, vm0, $0xb8;
	[tilespmem:$0x1C890] =	vst v63  }
0x11e: {  	s10 =	simm.s32 $0x19890;
	v4 =	vadd.s32 v2, v4  }
0x11f: {  	[tilespmem:s10], [sflag:$0x6] =	stream.indirect_vreg.gather [hbm4b:s8+s16], $0x80, v5, vm0, $0xb8;
	[tilespmem:$0x1C890] =	vst v63  }
0x120: {  	s12 =	simm.s32 $0x1A090  }
0x121: {  	[tilespmem:s12], [sflag:$0x6] =	stream.indirect_vreg.gather [hbm4b:s9+s16], $0x80, v5, vm0, $0xb8;
	[tilespmem:$0x1C890] =	vst v63  }
0x122: {  	s6 =	simm.s32 $0x1A890  }
0x123: {  	[tilespmem:s6], [sflag:$0x6] =	stream.indirect_vreg.gather [hbm4b:s0+s16], $0x80, v4, vm0, $0xb8;
	[tilespmem:$0x1C890] =	vst v63  }
0x124: {  	s10 =	simm.s32 $0x1B090  }
0x125: {  	[tilespmem:s10], [sflag:$0x6] =	stream.indirect_vreg.gather [hbm4b:s7+s16], $0x80, v4, vm0, $0xb8;
	[tilespmem:$0x1C890] =	vst v63  }
0x126: {  	s12 =	simm.s32 $0x1B890  }
0x127: {  	[tilespmem:s12], [sflag:$0x6] =	stream.indirect_vreg.gather [hbm4b:s8+s16], $0x80, v4, vm0, $0xb8;
	[tilespmem:$0x1C890] =	vst v63  }
0x128: {  	s6 =	simm.s32 $0x1C090  }
0x129: {  	[tilespmem:s6], [sflag:$0x6] =	stream.indirect_vreg.gather [hbm4b:s9+s16], $0x80, v4, vm0, $0xb8;
	[tilespmem:$0x1C890] =	vst v63  }
0x12a: {  	_ =	swait.ge [sflag:s5], $0x4000  }
0x12b: {  	[sflag:s5] =	ssyncset.done $0x0  }
0x12c: {  	s10 =	rddreg [dreg:$0xb];
	[sflag:s5] =	ssyncadd.s32 $0xFFFFC000  }
0x12d: {  	[hbm4b:s10+s16] =	stream.linear.scatter [tilespmem:s21], [sflag:$0xA], $0x4000, $0x38;
	[tilespmem:$0x1C890] =	vst v63  }
0x12e: {  	_ =	swait.ge [sflag:s11], $0x4000  }
0x12f: {  	[sflag:s11] =	ssyncset.done $0x0  }
0x130: {  	[sflag:s11] =	ssyncadd.s32 $0xFFFFC000  }
0x131: {  	v4 =	vld [tilespmem:$0x2300];
	_ =	sdelay $0x4  }
0x132: {  	v5 =	vshll.u32 v4, $0x3  }
0x133: {  	v4 =	vand.u32 $0x7, v4;
	v5 =	vand.u32 $0xFFFFFFC0, v5  }
0x134: {  	v4 =	vor.u32 v4, v5  }
0x135: {  	v5 =	vperm.xlane v4, v1;
	_ =	sdelay $0x1  }
0x136: {  	v5 =	vadd.s32 v2, v5;
	_ =	sdelay $0x4  }
0x137: {  	[tilespmem:s2], [sflag:$0x1] =	stream.indirect_vreg.gather [hbm4b:s0+s16], $0x80, v5, vm0, $0xb8;
	[tilespmem:$0x1C890] =	vst v63  }
0x138: {  	v4 =	vperm.xlane v4, v3  }
0x139: {  	[tilespmem:s28], [sflag:$0x1] =	stream.indirect_vreg.gather [hbm4b:s7+s16], $0x80, v5, vm0, $0xb8;
	[tilespmem:$0x1C890] =	vst v63  }
0x13a: {  	v4 =	vadd.s32 v2, v4  }
0x13b: {  	[tilespmem:s29], [sflag:$0x1] =	stream.indirect_vreg.gather [hbm4b:s8+s16], $0x80, v5, vm0, $0xb8;
	[tilespmem:$0x1C890] =	vst v63  }
0x13c: {  	s12 =	simm.s32 $0x6090  }
0x13d: {  	[tilespmem:s12], [sflag:$0x1] =	stream.indirect_vreg.gather [hbm4b:s9+s16], $0x80, v5, vm0, $0xb8;
	[tilespmem:$0x1C890] =	vst v63  }
0x13e: {  	s24 =	simm.s32 $0x6890  }
0x13f: {  	[tilespmem:s24], [sflag:$0x1] =	stream.indirect_vreg.gather [hbm4b:s0+s16], $0x80, v4, vm0, $0xb8;
	[tilespmem:$0x1C890] =	vst v63  }
0x140: {  	s24 =	simm.s32 $0x7090  }
0x141: {  	[tilespmem:s24], [sflag:$0x1] =	stream.indirect_vreg.gather [hbm4b:s7+s16], $0x80, v4, vm0, $0xb8;
	[tilespmem:$0x1C890] =	vst v63  }
0x142: {  	s29 =	simm.s32 $0x7890  }
0x143: {  	[tilespmem:s29], [sflag:$0x1] =	stream.indirect_vreg.gather [hbm4b:s8+s16], $0x80, v4, vm0, $0xb8;
	[tilespmem:$0x1C890] =	vst v63  }
0x144: {  	s5 =	simm.s32 $0x8090  }
0x145: {  	[tilespmem:s5], [sflag:$0x1] =	stream.indirect_vreg.gather [hbm4b:s9+s16], $0x80, v4, vm0, $0xb8;
	[tilespmem:$0x1C890] =	vst v63  }
0x146: {  	_ =	swait.ge [sflag:s13], $0x4000  }
0x147: {  	[sflag:s13] =	ssyncset.done $0x0  }
0x148: {  	s6 =	rddreg [dreg:$0xc];
	[sflag:s13] =	ssyncadd.s32 $0xFFFFC000  }
0x149: {  	[hbm4b:s6+s16] =	stream.linear.scatter [tilespmem:s17], [sflag:$0xB], $0x4000, $0x38;
	[tilespmem:$0x1C890] =	vst v63  }
0x14a: {  	_ =	swait.ge [sflag:s14], $0x4000  }
0x14b: {  	[sflag:s14] =	ssyncset.done $0x0  }
0x14c: {  	[sflag:s14] =	ssyncadd.s32 $0xFFFFC000  }
0x14d: {  	v4 =	vld [tilespmem:$0x2380];
	_ =	sdelay $0x4  }
0x14e: {  	v5 =	vshll.u32 v4, $0x3  }
0x14f: {  	v4 =	vand.u32 $0x7, v4;
	v5 =	vand.u32 $0xFFFFFFC0, v5  }
0x150: {  	v4 =	vor.u32 v4, v5  }
0x151: {  	v5 =	vperm.xlane v4, v1;
	_ =	sdelay $0x1  }
0x152: {  	v5 =	vadd.s32 v2, v5;
	_ =	sdelay $0x4  }
0x153: {  	[tilespmem:s23], [sflag:$0x2] =	stream.indirect_vreg.gather [hbm4b:s0+s16], $0x80, v5, vm0, $0xb8;
	[tilespmem:$0x1C890] =	vst v63  }
0x154: {  	v4 =	vperm.xlane v4, v3  }
0x155: {  	[tilespmem:s15], [sflag:$0x2] =	stream.indirect_vreg.gather [hbm4b:s7+s16], $0x80, v5, vm0, $0xb8;
	[tilespmem:$0x1C890] =	vst v63  }
0x156: {  	v4 =	vadd.s32 v2, v4  }
0x157: {  	[tilespmem:s20], [sflag:$0x2] =	stream.indirect_vreg.gather [hbm4b:s8+s16], $0x80, v5, vm0, $0xb8;
	[tilespmem:$0x1C890] =	vst v63  }
0x158: {  	s10 =	simm.s32 $0xA090  }
0x159: {  	[tilespmem:s10], [sflag:$0x2] =	stream.indirect_vreg.gather [hbm4b:s9+s16], $0x80, v5, vm0, $0xb8;
	[tilespmem:$0x1C890] =	vst v63  }
0x15a: {  	s12 =	simm.s32 $0xA890  }
0x15b: {  	[tilespmem:s12], [sflag:$0x2] =	stream.indirect_vreg.gather [hbm4b:s0+s16], $0x80, v4, vm0, $0xb8;
	[tilespmem:$0x1C890] =	vst v63  }
0x15c: {  	s13 =	simm.s32 $0xB090  }
0x15d: {  	[tilespmem:s13], [sflag:$0x2] =	stream.indirect_vreg.gather [hbm4b:s7+s16], $0x80, v4, vm0, $0xb8;
	[tilespmem:$0x1C890] =	vst v63  }
0x15e: {  	_ = 	snop  }
0x15f: {  	[tilespmem:s19], [sflag:$0x2] =	stream.indirect_vreg.gather [hbm4b:s8+s16], $0x80, v4, vm0, $0xb8;
	[tilespmem:$0x1C890] =	vst v63  }
0x160: {  	s6 =	simm.s32 $0x6;
	s19 =	simm.s32 $0xC090  }
0x161: {  	[tilespmem:s19], [sflag:$0x2] =	stream.indirect_vreg.gather [hbm4b:s9+s16], $0x80, v4, vm0, $0xb8;
	[tilespmem:$0x1C890] =	vst v63  }
0x162: {  	_ =	swait.ge [sflag:s6], $0x4000  }
0x163: {  	[sflag:s6] =	ssyncset.done $0x0  }
0x164: {  	s24 =	rddreg [dreg:$0xd];
	[sflag:s6] =	ssyncadd.s32 $0xFFFFC000  }
0x165: {  	[hbm4b:s24+s16] =	stream.linear.scatter [tilespmem:s1], [sflag:$0xC], $0x4000, $0x38;
	[tilespmem:$0x1C890] =	vst v63  }
0x166: {  	_ =	swait.ge [sflag:s18], $0x4000  }
0x167: {  	[sflag:s18] =	ssyncset.done $0x0  }
0x168: {  	[sflag:s18] =	ssyncadd.s32 $0xFFFFC000  }
0x169: {  	v4 =	vld [tilespmem:$0x2400];
	_ =	sdelay $0x4  }
0x16a: {  	v5 =	vshll.u32 v4, $0x3  }
0x16b: {  	v4 =	vand.u32 $0x7, v4;
	v5 =	vand.u32 $0xFFFFFFC0, v5  }
0x16c: {  	v4 =	vor.u32 v4, v5  }
0x16d: {  	v5 =	vperm.xlane v4, v1;
	_ =	sdelay $0x1  }
0x16e: {  	v5 =	vadd.s32 v2, v5;
	_ =	sdelay $0x4  }
0x16f: {  	[tilespmem:s22], [sflag:$0x3] =	stream.indirect_vreg.gather [hbm4b:s0+s16], $0x80, v5, vm0, $0xb8;
	[tilespmem:$0x1C890] =	vst v63  }
0x170: {  	s3 =	simm.s32 $0x1;
	v4 =	vperm.xlane v4, v3  }
0x171: {  	[tilespmem:s26], [sflag:$0x3] =	stream.indirect_vreg.gather [hbm4b:s7+s16], $0x80, v5, vm0, $0xb8;
	[tilespmem:$0x1C890] =	vst v63  }
0x172: {  	s11 =	simm.s32 $0x5;
	s28 =	simm.s32 $0x2700;
	s29 =	simm.s32 $0x10090;
	v4 =	vadd.s32 v2, v4  }
0x173: {  	[tilespmem:s30], [sflag:$0x3] =	stream.indirect_vreg.gather [hbm4b:s8+s16], $0x80, v5, vm0, $0xb8;
	[tilespmem:$0x1C890] =	vst v63  }
0x174: {  	s5 =	simm.s32 $0x3;
	s14 =	simm.s32 $0x2;
	s15 =	simm.s32 $0x8  }
0x175: {  	[tilespmem:s25], [sflag:$0x3] =	stream.indirect_vreg.gather [hbm4b:s9+s16], $0x80, v5, vm0, $0xb8;
	[tilespmem:$0x1C890] =	vst v63  }
0x176: {  	s20 =	simm.s32 $0x7;
	s10 =	simm.s32 $0xF890;
	s13 =	simm.s32 $0xE890  }
0x177: {  	[tilespmem:s31], [sflag:$0x3] =	stream.indirect_vreg.gather [hbm4b:s0+s16], $0x80, v4, vm0, $0xb8;
	[tilespmem:$0x1C890] =	vst v63  }
0x178: {  	s19 =	simm.s32 $0x4;
	s24 =	simm.s32 $0xF090;
	s25 =	simm.s32 $0xF090  }
0x179: {  	[tilespmem:s25], [sflag:$0x3] =	stream.indirect_vreg.gather [hbm4b:s7+s16], $0x80, v4, vm0, $0xb8;
	[tilespmem:$0x1C890] =	vst v63  }
0x17a: {  	s18 =	simm.s32 $0xC;
	s26 =	simm.s32 $0xF890;
	s30 =	simm.s32 $0xA  }
0x17b: {  	[tilespmem:s26], [sflag:$0x3] =	stream.indirect_vreg.gather [hbm4b:s8+s16], $0x80, v4, vm0, $0xb8;
	[tilespmem:$0x1C890] =	vst v63  }
0x17c: {  	s31 =	simm.s32 $0x10090;
	s25 =	simm.s32 $0x9;
	s26 =	simm.s32 $0xB  }
0x17d: {  	[tilespmem:s29], [sflag:$0x3] =	stream.indirect_vreg.gather [hbm4b:s9+s16], $0x80, v4, vm0, $0xb8;
	[tilespmem:$0x1C890] =	vst v63  }
.LBB2_6:
0x17e: {  	_ =	swait.ge [sflag:s3], $0x4000  }
0x17f: {  	s12 =	rddreg [dreg:$0x5]  }
0x180: {  	[sflag:s3] =	ssyncset.done $0x0;
	s12 =	sadd.s32 s16, s12  }
0x181: {  	[sflag:s3] =	ssyncadd.s32 $0xFFFFC000;
	s29 =	sadd.s32 $0x3000, s12  }
0x182: {  	[hbm4b:s29+s4] =	stream.linear.scatter [tilespmem:s2], [sflag:$0x7], $0x4000, $0x38;
	[tilespmem:$0x1C890] =	vst v63  }
0x183: {  	_ =	swait.ge [sflag:s30], $0x4000  }
0x184: {  	[sflag:s30] =	ssyncset.done $0x0  }
0x185: {  	[sflag:s30] =	ssyncadd.s32 $0xFFFFC000  }
0x186: {  	v4 =	vld [tilespmem:s28+$0xFFFFFD80];
	_ =	sdelay $0x4  }
0x187: {  	v5 =	vshll.u32 v4, $0x3  }
0x188: {  	v4 =	vand.u32 $0x7, v4;
	v5 =	vand.u32 $0xFFFFFFC0, v5  }
0x189: {  	v4 =	vor.u32 v4, v5  }
0x18a: {  	v5 =	vperm.xlane v4, v1;
	_ =	sdelay $0x1  }
0x18b: {  	v5 =	vadd.s32 v2, v5;
	_ =	sdelay $0x4  }
0x18c: {  	[tilespmem:s21], [sflag:$0x4] =	stream.indirect_vreg.gather [hbm4b:s0+s4], $0x80, v5, vm0, $0xb8;
	[tilespmem:$0x1C890] =	vst v63  }
0x18d: {  	s29 =	simm.s32 $0x11090;
	v4 =	vperm.xlane v4, v3  }
0x18e: {  	[tilespmem:s29], [sflag:$0x4] =	stream.indirect_vreg.gather [hbm4b:s7+s4], $0x80, v5, vm0, $0xb8;
	[tilespmem:$0x1C890] =	vst v63  }
0x18f: {  	v4 =	vadd.s32 v2, v4;
	s29 =	simm.s32 $0x11890  }
0x190: {  	[tilespmem:s29], [sflag:$0x4] =	stream.indirect_vreg.gather [hbm4b:s8+s4], $0x80, v5, vm0, $0xb8;
	[tilespmem:$0x1C890] =	vst v63  }
0x191: {  	s29 =	simm.s32 $0x12090  }
0x192: {  	[tilespmem:s29], [sflag:$0x4] =	stream.indirect_vreg.gather [hbm4b:s9+s4], $0x80, v5, vm0, $0xb8;
	[tilespmem:$0x1C890] =	vst v63  }
0x193: {  	s29 =	simm.s32 $0x12890  }
0x194: {  	[tilespmem:s29], [sflag:$0x4] =	stream.indirect_vreg.gather [hbm4b:s0+s4], $0x80, v4, vm0, $0xb8;
	[tilespmem:$0x1C890] =	vst v63  }
0x195: {  	s29 =	simm.s32 $0x13090  }
0x196: {  	[tilespmem:s29], [sflag:$0x4] =	stream.indirect_vreg.gather [hbm4b:s7+s4], $0x80, v4, vm0, $0xb8;
	[tilespmem:$0x1C890] =	vst v63  }
0x197: {  	s29 =	simm.s32 $0x13890  }
0x198: {  	[tilespmem:s29], [sflag:$0x4] =	stream.indirect_vreg.gather [hbm4b:s8+s4], $0x80, v4, vm0, $0xb8;
	[tilespmem:$0x1C890] =	vst v63  }
0x199: {  	s29 =	simm.s32 $0x14090  }
0x19a: {  	[tilespmem:s29], [sflag:$0x4] =	stream.indirect_vreg.gather [hbm4b:s9+s4], $0x80, v4, vm0, $0xb8;
	[tilespmem:$0x1C890] =	vst v63  }
0x19b: {  	_ =	swait.ge [sflag:s14], $0x4000  }
0x19c: {  	[sflag:s14] =	ssyncset.done $0x0  }
0x19d: {  	s29 =	sadd.s32 $0x3800, s12;
	[sflag:s14] =	ssyncadd.s32 $0xFFFFC000  }
0x19e: {  	[hbm4b:s29+s4] =	stream.linear.scatter [tilespmem:s23], [sflag:$0x8], $0x4000, $0x38;
	[tilespmem:$0x1C890] =	vst v63  }
0x19f: {  	_ =	swait.ge [sflag:s26], $0x4000  }
0x1a0: {  	[sflag:s26] =	ssyncset.done $0x0  }
0x1a1: {  	[sflag:s26] =	ssyncadd.s32 $0xFFFFC000  }
0x1a2: {  	v4 =	vld [tilespmem:s28+$0xFFFFFE00];
	_ =	sdelay $0x4  }
0x1a3: {  	v5 =	vshll.u32 v4, $0x3  }
0x1a4: {  	v4 =	vand.u32 $0x7, v4;
	v5 =	vand.u32 $0xFFFFFFC0, v5  }
0x1a5: {  	v4 =	vor.u32 v4, v5  }
0x1a6: {  	v5 =	vperm.xlane v4, v1;
	_ =	sdelay $0x1  }
0x1a7: {  	v5 =	vadd.s32 v2, v5;
	_ =	sdelay $0x4  }
0x1a8: {  	[tilespmem:s17], [sflag:$0x5] =	stream.indirect_vreg.gather [hbm4b:s0+s4], $0x80, v5, vm0, $0xb8;
	[tilespmem:$0x1C890] =	vst v63  }
0x1a9: {  	s29 =	simm.s32 $0x15090;
	v4 =	vperm.xlane v4, v3  }
0x1aa: {  	[tilespmem:s29], [sflag:$0x5] =	stream.indirect_vreg.gather [hbm4b:s7+s4], $0x80, v5, vm0, $0xb8;
	[tilespmem:$0x1C890] =	vst v63  }
0x1ab: {  	v4 =	vadd.s32 v2, v4;
	s29 =	simm.s32 $0x15890  }
0x1ac: {  	[tilespmem:s29], [sflag:$0x5] =	stream.indirect_vreg.gather [hbm4b:s8+s4], $0x80, v5, vm0, $0xb8;
	[tilespmem:$0x1C890] =	vst v63  }
0x1ad: {  	s29 =	simm.s32 $0x16090  }
0x1ae: {  	[tilespmem:s29], [sflag:$0x5] =	stream.indirect_vreg.gather [hbm4b:s9+s4], $0x80, v5, vm0, $0xb8;
	[tilespmem:$0x1C890] =	vst v63  }
0x1af: {  	s29 =	simm.s32 $0x16890  }
0x1b0: {  	[tilespmem:s29], [sflag:$0x5] =	stream.indirect_vreg.gather [hbm4b:s0+s4], $0x80, v4, vm0, $0xb8;
	[tilespmem:$0x1C890] =	vst v63  }
0x1b1: {  	s29 =	simm.s32 $0x17090  }
0x1b2: {  	[tilespmem:s29], [sflag:$0x5] =	stream.indirect_vreg.gather [hbm4b:s7+s4], $0x80, v4, vm0, $0xb8;
	[tilespmem:$0x1C890] =	vst v63  }
0x1b3: {  	s29 =	simm.s32 $0x17890  }
0x1b4: {  	[tilespmem:s29], [sflag:$0x5] =	stream.indirect_vreg.gather [hbm4b:s8+s4], $0x80, v4, vm0, $0xb8;
	[tilespmem:$0x1C890] =	vst v63  }
0x1b5: {  	s29 =	simm.s32 $0x18090  }
0x1b6: {  	[tilespmem:s29], [sflag:$0x5] =	stream.indirect_vreg.gather [hbm4b:s9+s4], $0x80, v4, vm0, $0xb8;
	[tilespmem:$0x1C890] =	vst v63  }
0x1b7: {  	_ =	swait.ge [sflag:s5], $0x4000  }
0x1b8: {  	[sflag:s5] =	ssyncset.done $0x0  }
0x1b9: {  	s29 =	sadd.s32 $0x4000, s12;
	[sflag:s5] =	ssyncadd.s32 $0xFFFFC000  }
0x1ba: {  	[hbm4b:s29+s4] =	stream.linear.scatter [tilespmem:s22], [sflag:$0x9], $0x4000, $0x38;
	[tilespmem:$0x1C890] =	vst v63  }
0x1bb: {  	_ =	swait.ge [sflag:s18], $0x4000  }
0x1bc: {  	[sflag:s18] =	ssyncset.done $0x0  }
0x1bd: {  	[sflag:s18] =	ssyncadd.s32 $0xFFFFC000  }
0x1be: {  	v4 =	vld [tilespmem:s28+$0xFFFFFE80];
	_ =	sdelay $0x4  }
0x1bf: {  	v5 =	vshll.u32 v4, $0x3  }
0x1c0: {  	v4 =	vand.u32 $0x7, v4;
	v5 =	vand.u32 $0xFFFFFFC0, v5  }
0x1c1: {  	v4 =	vor.u32 v4, v5  }
0x1c2: {  	v5 =	vperm.xlane v4, v1;
	_ =	sdelay $0x1  }
0x1c3: {  	v5 =	vadd.s32 v2, v5;
	_ =	sdelay $0x4  }
0x1c4: {  	[tilespmem:s1], [sflag:$0x6] =	stream.indirect_vreg.gather [hbm4b:s0+s4], $0x80, v5, vm0, $0xb8;
	[tilespmem:$0x1C890] =	vst v63  }
0x1c5: {  	s29 =	simm.s32 $0x19090;
	v4 =	vperm.xlane v4, v3  }
0x1c6: {  	[tilespmem:s29], [sflag:$0x6] =	stream.indirect_vreg.gather [hbm4b:s7+s4], $0x80, v5, vm0, $0xb8;
	[tilespmem:$0x1C890] =	vst v63  }
0x1c7: {  	v4 =	vadd.s32 v2, v4;
	s29 =	simm.s32 $0x19890  }
0x1c8: {  	[tilespmem:s29], [sflag:$0x6] =	stream.indirect_vreg.gather [hbm4b:s8+s4], $0x80, v5, vm0, $0xb8;
	[tilespmem:$0x1C890] =	vst v63  }
0x1c9: {  	s29 =	simm.s32 $0x1A090  }
0x1ca: {  	[tilespmem:s29], [sflag:$0x6] =	stream.indirect_vreg.gather [hbm4b:s9+s4], $0x80, v5, vm0, $0xb8;
	[tilespmem:$0x1C890] =	vst v63  }
0x1cb: {  	s29 =	simm.s32 $0x1A890  }
0x1cc: {  	[tilespmem:s29], [sflag:$0x6] =	stream.indirect_vreg.gather [hbm4b:s0+s4], $0x80, v4, vm0, $0xb8;
	[tilespmem:$0x1C890] =	vst v63  }
0x1cd: {  	s29 =	simm.s32 $0x1B090  }
0x1ce: {  	[tilespmem:s29], [sflag:$0x6] =	stream.indirect_vreg.gather [hbm4b:s7+s4], $0x80, v4, vm0, $0xb8;
	[tilespmem:$0x1C890] =	vst v63  }
0x1cf: {  	s29 =	simm.s32 $0x1B890  }
0x1d0: {  	[tilespmem:s29], [sflag:$0x6] =	stream.indirect_vreg.gather [hbm4b:s8+s4], $0x80, v4, vm0, $0xb8;
	[tilespmem:$0x1C890] =	vst v63  }
0x1d1: {  	s29 =	simm.s32 $0x1C090  }
0x1d2: {  	[tilespmem:s29], [sflag:$0x6] =	stream.indirect_vreg.gather [hbm4b:s9+s4], $0x80, v4, vm0, $0xb8;
	[tilespmem:$0x1C890] =	vst v63  }
0x1d3: {  	_ =	swait.ge [sflag:s19], $0x4000  }
0x1d4: {  	[sflag:s19] =	ssyncset.done $0x0  }
0x1d5: {  	s29 =	sadd.s32 $0x4800, s12;
	[sflag:s19] =	ssyncadd.s32 $0xFFFFC000  }
0x1d6: {  	[hbm4b:s29+s4] =	stream.linear.scatter [tilespmem:s21], [sflag:$0xA], $0x4000, $0x38;
	[tilespmem:$0x1C890] =	vst v63  }
0x1d7: {  	_ =	swait.ge [sflag:s20], $0x4000  }
0x1d8: {  	[sflag:s20] =	ssyncset.done $0x0  }
0x1d9: {  	[sflag:s20] =	ssyncadd.s32 $0xFFFFC000  }
0x1da: {  	v4 =	vld [tilespmem:s28+$0xFFFFFF00];
	_ =	sdelay $0x4  }
0x1db: {  	v5 =	vshll.u32 v4, $0x3  }
0x1dc: {  	v4 =	vand.u32 $0x7, v4;
	v5 =	vand.u32 $0xFFFFFFC0, v5  }
0x1dd: {  	v4 =	vor.u32 v4, v5  }
0x1de: {  	v5 =	vperm.xlane v4, v1;
	_ =	sdelay $0x1  }
0x1df: {  	v5 =	vadd.s32 v2, v5;
	_ =	sdelay $0x4  }
0x1e0: {  	[tilespmem:s2], [sflag:$0x1] =	stream.indirect_vreg.gather [hbm4b:s0+s4], $0x80, v5, vm0, $0xb8;
	[tilespmem:$0x1C890] =	vst v63  }
0x1e1: {  	s29 =	simm.s32 $0x5090;
	v4 =	vperm.xlane v4, v3  }
0x1e2: {  	[tilespmem:s29], [sflag:$0x1] =	stream.indirect_vreg.gather [hbm4b:s7+s4], $0x80, v5, vm0, $0xb8;
	[tilespmem:$0x1C890] =	vst v63  }
0x1e3: {  	v4 =	vadd.s32 v2, v4;
	s29 =	simm.s32 $0x5890  }
0x1e4: {  	[tilespmem:s29], [sflag:$0x1] =	stream.indirect_vreg.gather [hbm4b:s8+s4], $0x80, v5, vm0, $0xb8;
	[tilespmem:$0x1C890] =	vst v63  }
0x1e5: {  	s29 =	simm.s32 $0x6090  }
0x1e6: {  	[tilespmem:s29], [sflag:$0x1] =	stream.indirect_vreg.gather [hbm4b:s9+s4], $0x80, v5, vm0, $0xb8;
	[tilespmem:$0x1C890] =	vst v63  }
0x1e7: {  	s29 =	simm.s32 $0x6890  }
0x1e8: {  	[tilespmem:s29], [sflag:$0x1] =	stream.indirect_vreg.gather [hbm4b:s0+s4], $0x80, v4, vm0, $0xb8;
	[tilespmem:$0x1C890] =	vst v63  }
0x1e9: {  	s29 =	simm.s32 $0x7090  }
0x1ea: {  	[tilespmem:s29], [sflag:$0x1] =	stream.indirect_vreg.gather [hbm4b:s7+s4], $0x80, v4, vm0, $0xb8;
	[tilespmem:$0x1C890] =	vst v63  }
0x1eb: {  	s29 =	simm.s32 $0x7890  }
0x1ec: {  	[tilespmem:s29], [sflag:$0x1] =	stream.indirect_vreg.gather [hbm4b:s8+s4], $0x80, v4, vm0, $0xb8;
	[tilespmem:$0x1C890] =	vst v63  }
0x1ed: {  	s29 =	simm.s32 $0x8090  }
0x1ee: {  	[tilespmem:s29], [sflag:$0x1] =	stream.indirect_vreg.gather [hbm4b:s9+s4], $0x80, v4, vm0, $0xb8;
	[tilespmem:$0x1C890] =	vst v63  }
0x1ef: {  	_ =	swait.ge [sflag:s11], $0x4000  }
0x1f0: {  	[sflag:s11] =	ssyncset.done $0x0  }
0x1f1: {  	s29 =	sadd.s32 $0x5000, s12;
	[sflag:s11] =	ssyncadd.s32 $0xFFFFC000  }
0x1f2: {  	[hbm4b:s29+s4] =	stream.linear.scatter [tilespmem:s17], [sflag:$0xB], $0x4000, $0x38;
	[tilespmem:$0x1C890] =	vst v63  }
0x1f3: {  	_ =	swait.ge [sflag:s15], $0x4000  }
0x1f4: {  	[sflag:s15] =	ssyncset.done $0x0  }
0x1f5: {  	[sflag:s15] =	ssyncadd.s32 $0xFFFFC000  }
0x1f6: {  	v4 =	vld [tilespmem:s28+$0xFFFFFF80];
	_ =	sdelay $0x4  }
0x1f7: {  	v5 =	vshll.u32 v4, $0x3  }
0x1f8: {  	v4 =	vand.u32 $0x7, v4;
	v5 =	vand.u32 $0xFFFFFFC0, v5  }
0x1f9: {  	v4 =	vor.u32 v4, v5  }
0x1fa: {  	v5 =	vperm.xlane v4, v1;
	_ =	sdelay $0x1  }
0x1fb: {  	v5 =	vadd.s32 v2, v5;
	_ =	sdelay $0x4  }
0x1fc: {  	[tilespmem:s23], [sflag:$0x2] =	stream.indirect_vreg.gather [hbm4b:s0+s4], $0x80, v5, vm0, $0xb8;
	[tilespmem:$0x1C890] =	vst v63  }
0x1fd: {  	s29 =	simm.s32 $0x9090;
	v4 =	vperm.xlane v4, v3  }
0x1fe: {  	[tilespmem:s29], [sflag:$0x2] =	stream.indirect_vreg.gather [hbm4b:s7+s4], $0x80, v5, vm0, $0xb8;
	[tilespmem:$0x1C890] =	vst v63  }
0x1ff: {  	v4 =	vadd.s32 v2, v4;
	s29 =	simm.s32 $0x9890  }
0x200: {  	[tilespmem:s29], [sflag:$0x2] =	stream.indirect_vreg.gather [hbm4b:s8+s4], $0x80, v5, vm0, $0xb8;
	[tilespmem:$0x1C890] =	vst v63  }
0x201: {  	s29 =	simm.s32 $0xA090  }
0x202: {  	[tilespmem:s29], [sflag:$0x2] =	stream.indirect_vreg.gather [hbm4b:s9+s4], $0x80, v5, vm0, $0xb8;
	[tilespmem:$0x1C890] =	vst v63  }
0x203: {  	s29 =	simm.s32 $0xA890  }
0x204: {  	[tilespmem:s29], [sflag:$0x2] =	stream.indirect_vreg.gather [hbm4b:s0+s4], $0x80, v4, vm0, $0xb8;
	[tilespmem:$0x1C890] =	vst v63  }
0x205: {  	s29 =	simm.s32 $0xB090  }
0x206: {  	[tilespmem:s29], [sflag:$0x2] =	stream.indirect_vreg.gather [hbm4b:s7+s4], $0x80, v4, vm0, $0xb8;
	[tilespmem:$0x1C890] =	vst v63  }
0x207: {  	s29 =	simm.s32 $0xB890  }
0x208: {  	[tilespmem:s29], [sflag:$0x2] =	stream.indirect_vreg.gather [hbm4b:s8+s4], $0x80, v4, vm0, $0xb8;
	[tilespmem:$0x1C890] =	vst v63  }
0x209: {  	s29 =	simm.s32 $0xC090  }
0x20a: {  	[tilespmem:s29], [sflag:$0x2] =	stream.indirect_vreg.gather [hbm4b:s9+s4], $0x80, v4, vm0, $0xb8;
	[tilespmem:$0x1C890] =	vst v63  }
0x20b: {  	_ =	swait.ge [sflag:s6], $0x4000  }
0x20c: {  	[sflag:s6] =	ssyncset.done $0x0  }
0x20d: {  	s12 =	sadd.s32 $0x5800, s12;
	[sflag:s6] =	ssyncadd.s32 $0xFFFFC000  }
0x20e: {  	[hbm4b:s12+s4] =	stream.linear.scatter [tilespmem:s1], [sflag:$0xC], $0x4000, $0x38;
	[tilespmem:$0x1C890] =	vst v63  }
0x20f: {  	_ =	swait.ge [sflag:s25], $0x4000  }
0x210: {  	[sflag:s25] =	ssyncset.done $0x0  }
0x211: {  	[sflag:s25] =	ssyncadd.s32 $0xFFFFC000  }
0x212: {  	v4 =	vld [tilespmem:s28+$0x0];
	_ =	sdelay $0x4  }
0x213: {  	v5 =	vshll.u32 v4, $0x3  }
0x214: {  	v4 =	vand.u32 $0x7, v4;
	v5 =	vand.u32 $0xFFFFFFC0, v5  }
0x215: {  	v4 =	vor.u32 v4, v5  }
0x216: {  	v5 =	vperm.xlane v4, v1;
	_ =	sdelay $0x1  }
0x217: {  	v5 =	vadd.s32 v2, v5;
	_ =	sdelay $0x4  }
0x218: {  	[tilespmem:s22], [sflag:$0x3] =	stream.indirect_vreg.gather [hbm4b:s0+s4], $0x80, v5, vm0, $0xb8;
	[tilespmem:$0x1C890] =	vst v63  }
0x219: {  	s29 =	simm.s32 $0xD090;
	v4 =	vperm.xlane v4, v3  }
0x21a: {  	[tilespmem:s29], [sflag:$0x3] =	stream.indirect_vreg.gather [hbm4b:s7+s4], $0x80, v5, vm0, $0xb8;
	[tilespmem:$0x1C890] =	vst v63  }
0x21b: {  	v4 =	vadd.s32 v2, v4;
	s29 =	simm.s32 $0xD890  }
0x21c: {  	[tilespmem:s29], [sflag:$0x3] =	stream.indirect_vreg.gather [hbm4b:s8+s4], $0x80, v5, vm0, $0xb8;
	[tilespmem:$0x1C890] =	vst v63  }
0x21d: {  	s29 =	simm.s32 $0xE090  }
0x21e: {  	[tilespmem:s29], [sflag:$0x3] =	stream.indirect_vreg.gather [hbm4b:s9+s4], $0x80, v5, vm0, $0xb8;
	[tilespmem:$0x1C890] =	vst v63  }
0x21f: {  	_ = 	snop  }
0x220: {  	[tilespmem:s13], [sflag:$0x3] =	stream.indirect_vreg.gather [hbm4b:s0+s4], $0x80, v4, vm0, $0xb8;
	[tilespmem:$0x1C890] =	vst v63  }
0x221: {  	p0 =	sne.s32 s16, $0x18000  }
0x222: {  	[tilespmem:s24], [sflag:$0x3] =	stream.indirect_vreg.gather [hbm4b:s7+s4], $0x80, v4, vm0, $0xb8;
	[tilespmem:$0x1C890] =	vst v63  }
.Ltmp2:
0x223: {  	_ = 	snop;
	(pc) =	sbr.rel @p0 .LBB2_6-.Ltmp2, $4  }
0x224: {  	_ = 	snop  }
0x225: {  	[tilespmem:s10], [sflag:$0x3] =	stream.indirect_vreg.gather [hbm4b:s8+s4], $0x80, v4, vm0, $0xb8;
	[tilespmem:$0x1C890] =	vst v63  }
0x226: {  	s16 =	sadd.s32 $0x3000, s16;
	s28 =	sadd.s32 $0x300, s28  }
0x227: {  	[tilespmem:s31], [sflag:$0x3] =	stream.indirect_vreg.gather [hbm4b:s9+s4], $0x80, v4, vm0, $0xb8;
	[tilespmem:$0x1C890] =	vst v63  }
0x228: {  	_ =	swait.ge [sflag:s3], $0x4000  }
0x229: {  	[sflag:s3] =	ssyncset.done $0x0  }
0x22a: {  	s12 =	rddreg [dreg:$0xe];
	[sflag:s3] =	ssyncadd.s32 $0xFFFFC000  }
0x22b: {  	[hbm4b:s12+s4] =	stream.linear.scatter [tilespmem:s2], [sflag:$0x7], $0x4000, $0x38;
	[tilespmem:$0x1C890] =	vst v63  }
0x22c: {  	_ =	swait.ge [sflag:s30], $0x4000  }
0x22d: {  	[sflag:s30] =	ssyncset.done $0x0  }
0x22e: {  	[sflag:s30] =	ssyncadd.s32 $0xFFFFC000  }
0x22f: {  	v4 =	vld [tilespmem:$0x3F80];
	_ =	sdelay $0x4  }
0x230: {  	v5 =	vshll.u32 v4, $0x3  }
0x231: {  	v4 =	vand.u32 $0x7, v4;
	v5 =	vand.u32 $0xFFFFFFC0, v5  }
0x232: {  	v4 =	vor.u32 v4, v5  }
0x233: {  	v5 =	vperm.xlane v4, v1;
	_ =	sdelay $0x1  }
0x234: {  	v5 =	vadd.s32 v2, v5;
	_ =	sdelay $0x4  }
0x235: {  	[tilespmem:s21], [sflag:$0x4] =	stream.indirect_vreg.gather [hbm4b:s0+s4], $0x80, v5, vm0, $0xb8;
	[tilespmem:$0x1C890] =	vst v63  }
0x236: {  	s1 =	simm.s32 $0x11090;
	v4 =	vperm.xlane v4, v3  }
0x237: {  	[tilespmem:s1], [sflag:$0x4] =	stream.indirect_vreg.gather [hbm4b:s7+s4], $0x80, v5, vm0, $0xb8;
	[tilespmem:$0x1C890] =	vst v63  }
0x238: {  	s3 =	simm.s32 $0x11890;
	v4 =	vadd.s32 v2, v4  }
0x239: {  	[tilespmem:s3], [sflag:$0x4] =	stream.indirect_vreg.gather [hbm4b:s8+s4], $0x80, v5, vm0, $0xb8;
	[tilespmem:$0x1C890] =	vst v63  }
0x23a: {  	s6 =	simm.s32 $0x12090  }
0x23b: {  	[tilespmem:s6], [sflag:$0x4] =	stream.indirect_vreg.gather [hbm4b:s9+s4], $0x80, v5, vm0, $0xb8;
	[tilespmem:$0x1C890] =	vst v63  }
0x23c: {  	s10 =	simm.s32 $0x12890  }
0x23d: {  	[tilespmem:s10], [sflag:$0x4] =	stream.indirect_vreg.gather [hbm4b:s0+s4], $0x80, v4, vm0, $0xb8;
	[tilespmem:$0x1C890] =	vst v63  }
0x23e: {  	s11 =	simm.s32 $0x13090  }
0x23f: {  	[tilespmem:s11], [sflag:$0x4] =	stream.indirect_vreg.gather [hbm4b:s7+s4], $0x80, v4, vm0, $0xb8;
	[tilespmem:$0x1C890] =	vst v63  }
0x240: {  	s12 =	simm.s32 $0x13890  }
0x241: {  	[tilespmem:s12], [sflag:$0x4] =	stream.indirect_vreg.gather [hbm4b:s8+s4], $0x80, v4, vm0, $0xb8;
	[tilespmem:$0x1C890] =	vst v63  }
0x242: {  	s13 =	simm.s32 $0x14090  }
0x243: {  	[tilespmem:s13], [sflag:$0x4] =	stream.indirect_vreg.gather [hbm4b:s9+s4], $0x80, v4, vm0, $0xb8;
	[tilespmem:$0x1C890] =	vst v63  }
0x244: {  	_ =	swait.ge [sflag:s14], $0x4000  }
0x245: {  	[sflag:s14] =	ssyncset.done $0x0  }
0x246: {  	[sflag:s14] =	ssyncadd.s32 $0xFFFFC000;
	s14 =	rddreg [dreg:$0xf]  }
0x247: {  	[hbm4b:s14+s4] =	stream.linear.scatter [tilespmem:s23], [sflag:$0x8], $0x4000, $0x38;
	[tilespmem:$0x1C890] =	vst v63  }
0x248: {  	_ =	swait.ge [sflag:s5], $0x4000  }
0x249: {  	[sflag:s5] =	ssyncset.done $0x0  }
0x24a: {  	s16 =	rddreg [dreg:$0x10];
	[sflag:s5] =	ssyncadd.s32 $0xFFFFC000  }
0x24b: {  	[hbm4b:s16+s4] =	stream.linear.scatter [tilespmem:s22], [sflag:$0x9], $0x4000, $0x38;
	[tilespmem:$0x1C890] =	vst v63  }
0x24c: {  	_ =	swait.ge [sflag:s19], $0x4000  }
0x24d: {  	[sflag:s19] =	ssyncset.done $0x0  }
0x24e: {  	s24 =	rddreg [dreg:$0x11];
	[sflag:s19] =	ssyncadd.s32 $0xFFFFC000  }
0x24f: {  	[hbm4b:s24+s4] =	stream.linear.scatter [tilespmem:s21], [sflag:$0xA], $0x4000, $0x38;
	[tilespmem:$0x1C890] =	vst v63  }
0x250: {  	_ =	swait.ge [sflag:s26], $0x4000  }
0x251: {  	[sflag:s26] =	ssyncset.done $0x0  }
0x252: {  	[sflag:s26] =	ssyncadd.s32 $0xFFFFC000  }
0x253: {  	_ =	swait.ge [sflag:s18], $0x4000  }
0x254: {  	[sflag:s18] =	ssyncset.done $0x0  }
0x255: {  	[sflag:s18] =	ssyncadd.s32 $0xFFFFC000  }
0x256: {  	_ =	swait.ge [sflag:s20], $0x4000  }
0x257: {  	[sflag:s20] =	ssyncset.done $0x0  }
0x258: {  	[sflag:s20] =	ssyncadd.s32 $0xFFFFC000  }
0x259: {  	_ =	swait.ge [sflag:s15], $0x4000  }
0x25a: {  	[sflag:s15] =	ssyncset.done $0x0  }
0x25b: {  	[sflag:s15] =	ssyncadd.s32 $0xFFFFC000  }
0x25c: {  	_ =	swait.ge [sflag:s25], $0x4000  }
0x25d: {  	[sflag:s25] =	ssyncset.done $0x0  }
0x25e: {  	[sflag:s25] =	ssyncadd.s32 $0xFFFFC000  }
0x25f: {  	_ =	swait.ge [sflag:s30], $0x4000  }
0x260: {  	s28 =	rddreg [dreg:$0x13]  }
0x261: {  	s31 =	rddreg [dreg:$0x12];
	s2 =	sadd.s32 $0x1, s28  }
0x262: {  	p0 =	sne.s32 s2, s31  }
.Ltmp3:
0x263: {  	s29 =	simm.s32 $0xD;
	(pc) =	sbr.rel @p0 .LBB2_1-.Ltmp3, $4  }
0x264: {  	s1 =	simm.s32 $0x4890;
	s3 =	simm.s32 $0x2;
	s6 =	simm.s32 $0x3  }
0x265: {  	s10 =	simm.s32 $0x1;
	s11 =	simm.s32 $0x7;
	s13 =	simm.s32 $0x5  }
0x266: {  	s14 =	simm.s32 $0x8;
	s5 =	simm.s32 $0x4;
	[sflag:s30] =	ssyncset.done $0x0  }
0x267: {  	s22 =	simm.s32 $0xC090;
	s18 =	simm.s32 $0x9;
	[sflag:s30] =	ssyncadd.s32 $0xFFFFC000  }
0x268: {  	_ =	sfence.sel $0x180000  }
0x269: {  	[bflag:$0x0] =	sbarrier.arrive $0xFFFF  }
0x26a: {  	_ =	strace $0x90000047  }
0x26b: {  	s0 =	stileid.u32;
	[bflag:$0x2] =	sbarrier.arrive $0xFFFF  }
0x26c: {  	p0 =	sne.s32 s0, $0x0;
	s0 =	rddreg [dreg:$0x4]  }
0x26d: {  	s0 =	sadd.s32 @!p0 $0x100000, s0  }
0x26e: {  	[sflag:s0] =	ssyncadd.tile.s32 @!p0 $0x1;
	_ =	shalt  }
.Lfunc_end2:
_tile_overlayer_lowered:
.L_overlay_start_2:
0x26f: {  	(tag) =	ssettag $0x2  }
0x270: {  	s0 =	rddreg [dreg:$0x0];
	s2 =	stileid.u32  }
0x271: {  	s1 =	rddreg [dreg:$0x1];
	p0 =	sne.s32 s2, $0x0  }
0x272: {  	s3 =	rddreg [dreg:$0x2];
	[bflag:$0x3] =	sbarrier.arrive $0xFFFF;
	s2 =	simm.s32 @!p0 $0x1C0D  }
0x273: {  	[timem:s3], [sflag:s2] =	dma.local @!p0 [hbm:s0], s1  }
0x274: {  	s0 =	simm.s32 @!p0 $0xD  }
0x275: {  	_ =	swait.ge @!p0 [sflag:s0], s1  }
0x276: {  	s1 =	ssub.s32 @!p0 $0x0, s1;
	[sflag:s0] =	ssyncset.done @!p0 $0x0  }
0x277: {  	[sflag:s0] =	ssyncadd.s32 @!p0 s1  }
0x278: {  	[bflag:$0x3] =	sbarrier.arrive $0xFFFF  }
0x279: {  	_ =	shalt  }

</sc_bundles>
